<compile_context>
chip_gen: v7x
topology: tpu7x:2x2x1
jax: 0.10.2.dev20260603
libtpu: 0.0.44.dev20260713+nightly
codegen_flags: <defaults>
</compile_context>

<pallas_src>
import functools

import jax
import jax.numpy as jnp
import numpy as np
from jax import lax
from jax.experimental import pallas as pl
from jax.experimental.pallas import tpu as pltpu
from jax.experimental.pallas import tpu_sc as plsc

_HEAD_ORDER = ['role_select', 'settler', 'builder', 'mayor', 'craftsman', 'trader', 'captain']
_HEAD_HIDDEN = [512, 256, 512, 512, 128, 256, 512]
_PHASE_TO_HEADIDX = np.array([1, 3, 2, 4, 5, 6, 6, 0, 0], dtype=np.int32)

_BLK_T = 512
_BLK_H = 256
_NB_H = 72
_NP = _NB_H * _BLK_H
_AMP = 256


def _bdot(a, b):
    return jax.lax.dot(a.astype(jnp.bfloat16), b, preferred_element_type=jnp.float32)


def _bdot16(a, b):
    return jax.lax.dot(a, b, preferred_element_type=jnp.float32)


def _normalize(x, eps=1e-5):
    m = jnp.mean(x, axis=-1, keepdims=True)
    v = jnp.mean(x * x, axis=-1, keepdims=True) - m * m
    return (x - m) * jax.lax.rsqrt(v + eps)



def _trunk_body(
    x_ref, ph_ref,
    pe_tab_ref, wx_ref, wp_ref, be_ref, ge_ref, bee_ref,
    bw1_ref, bb1_ref, bw2_ref, bb2_ref,
    cw1_ref, cb1_ref, cw2_ref, cb2_ref,
    nrm_ref, val_ref,
):
    f32 = jnp.float32
    blk = x_ref.shape[0]

    ph = ph_ref[...]
    iota9 = jax.lax.broadcasted_iota(jnp.int32, (blk, 9), 1)
    oh9 = (ph == iota9).astype(f32)
    pe = jnp.dot(oh9, pe_tab_ref[...])

    u = _bdot(x_ref[...], wx_ref[...]) + _bdot(pe, wp_ref[...]) + be_ref[...]
    h = jax.nn.relu(_normalize(u) * ge_ref[...] + bee_ref[...])

    for i in range(3):
        t = _normalize(h)
        t = jax.nn.relu(_bdot(t, bw1_ref[i]) + bb1_ref[i])
        t = jax.nn.relu(_bdot(t, bw2_ref[i]) + bb2_ref[i])
        h = h + t

    nrm = _normalize(h).astype(jnp.bfloat16)
    nrm_ref[...] = nrm

    v = jax.nn.relu(_bdot16(nrm, cw1_ref[...]) + cb1_ref[...])
    val_ref[...] = _bdot(v, cw2_ref[...]) + cb2_ref[...]


def _trunk(x, ph2, params):
    B, OBS = x.shape
    H = params['embed']['W'].shape[1]
    PE = params['phase_embed'].shape[1]
    nb = B // _BLK_T
    bf16 = jnp.bfloat16

    e = params['embed']
    wx = e['W'][:OBS].astype(bf16)
    wp = e['W'][OBS:].astype(bf16)
    bw1 = jnp.stack([b['g'][:, None] * b['W1'] for b in params['blocks']]).astype(bf16)
    bb1 = jnp.stack([b['b1'] + b['be'] @ b['W1'] for b in params['blocks']])
    bw2 = jnp.stack([b['W2'] for b in params['blocks']]).astype(bf16)
    bb2 = jnp.stack([b['b2'] for b in params['blocks']])
    c = params['critic']
    cw1 = (c['g'][:, None] * c['W1']).astype(bf16)
    cb1 = c['b1'] + c['be'] @ c['W1']

    row = lambda w, d=None: pl.BlockSpec((_BLK_T, w), lambda i: (i, 0))
    full = lambda *shape: pl.BlockSpec(shape, lambda i: (0,) * len(shape))

    nrm, val = pl.pallas_call(
        _trunk_body,
        grid=(nb,),
        in_specs=[
            row(OBS), row(1),
            full(9, PE), full(OBS, H), full(PE, H), full(H), full(H), full(H),
            full(3, H, H), full(3, H), full(3, H, H), full(3, H),
            full(H, H), full(H), full(H, 1), full(1),
        ],
        out_specs=[row(H), row(1)],
        out_shape=[
            jax.ShapeDtypeStruct((B, H), bf16),
            jax.ShapeDtypeStruct((B, 1), jnp.float32),
        ],
    )(
        x, ph2,
        params['phase_embed'], wx, wp, e['b'], e['g'], e['be'],
        bw1, bb1, bw2, bb2,
        cw1, cb1, c['W2'].astype(bf16), c['b2'],
    )
    return nrm, val



def _routing(phase_ids, action, B):
    i32 = jnp.int32
    hid = jnp.asarray(_PHASE_TO_HEADIDX)[phase_ids]
    oh = (hid[:, None] == jnp.arange(7)[None, :]).astype(i32)
    counts = jnp.sum(oh, axis=0)
    starts = jnp.cumsum(counts) - counts
    cap = ((counts + _BLK_H - 1) // _BLK_H) * _BLK_H
    pstart = jnp.cumsum(cap) - cap

    perm = jnp.argsort(hid)
    pos = jnp.arange(_NP, dtype=i32)
    h_slot = jnp.sum((pos[None, :] >= pstart[:, None]).astype(i32), axis=0) - 1
    h_slot = jnp.clip(h_slot, 0, 6)
    ps = pstart[h_slot]
    j = pos - ps
    cnt = counts[h_slot]
    valid = j < cnt
    src_pos = starts[h_slot] + jnp.clip(j, 0, jnp.maximum(cnt - 1, 0))
    src_pos = jnp.clip(src_pos, 0, B - 1)
    ridx = perm[src_pos].astype(i32)
    bh = h_slot[:: _BLK_H].astype(i32)
    ridx_out = jnp.where(valid, ridx, B)
    act_s = action.astype(i32)[ridx].reshape(_NP, 1)
    return ridx, ridx_out, bh, act_s



def _sc_gather(nrm3, am3, ridx):
    info = plsc.get_sparse_core_info()
    nw = info.num_cores * info.num_subcores
    np_w = _NP // nw
    ch = 192
    nch = np_w // ch
    bf16 = jnp.bfloat16
    mesh = plsc.VectorSubcoreMesh(core_axis_name="c", subcore_axis_name="s")

    @functools.partial(
        pl.kernel, mesh=mesh,
        out_type=[
            jax.ShapeDtypeStruct((_NP, 2, 128), jnp.int32),
            jax.ShapeDtypeStruct((_NP, 1, 128), jnp.int32),
        ],
        scratch_types=[
            pltpu.VMEM((np_w,), jnp.int32),
            pltpu.VMEM((ch, 2, 128), jnp.int32),
            pltpu.VMEM((ch, 1, 128), jnp.int32),
            pltpu.SemaphoreType.DMA,
            pltpu.SemaphoreType.DMA,
        ],
    )
    def gk(nrm_hbm, am_hbm, idx_hbm, nrm_out, am_out, idx_v, nbuf, abuf, s1, s2):
        wid = lax.axis_index("s") * info.num_cores + lax.axis_index("c")
        base = wid * np_w
        pltpu.sync_copy(idx_hbm.at[pl.ds(base, np_w)], idx_v)
        for ci in range(nch):
            off = ci * ch
            c1 = pltpu.async_copy(nrm_hbm.at[idx_v.at[pl.ds(off, ch)]], nbuf, s1)
            c2 = pltpu.async_copy(am_hbm.at[idx_v.at[pl.ds(off, ch)]], abuf, s2)
            c1.wait()
            c2.wait()
            pltpu.sync_copy(nbuf, nrm_out.at[pl.ds(base + off, ch)])
            pltpu.sync_copy(abuf, am_out.at[pl.ds(base + off, ch)])

    return gk(nrm3, am3, ridx)



def _heads_body(bh_ref, nrm_ref, am_ref, act_ref,
                w1_ref, b1_ref, w2_ref, b2_ref,
                logp_ref, ent_ref):
    f32 = jnp.float32
    blk = nrm_ref.shape[0]
    ACT = w2_ref.shape[2]

    t = nrm_ref[...]
    h1 = jnp.maximum(_bdot16(t, w1_ref[0]) + b1_ref[0], 0.0)
    logits = _bdot16(h1.astype(jnp.bfloat16), w2_ref[0]) + b2_ref[0]

    am = am_ref[...][:, :ACT]
    masked = jnp.where(am > 0.5, logits, f32(-1e8))
    mx = jnp.max(masked, axis=-1, keepdims=True)
    z = masked - mx
    ez = jnp.exp(z)
    s = jnp.sum(ez, axis=-1, keepdims=True)
    logp = z - jnp.log(s)

    act = act_ref[...]
    iota_a = jax.lax.broadcasted_iota(jnp.int32, (blk, ACT), 1)
    oh_a = (act == iota_a).astype(f32)
    logp_ref[...] = jnp.sum(logp * oh_a, axis=-1, keepdims=True)
    probs = ez / s
    ent_ref[...] = -jnp.sum(probs * logp, axis=-1, keepdims=True)


def _heads(nrm_s, am_s, act_s, bh, params):
    H = 512
    ACT = 200
    bf16 = jnp.bfloat16
    hp = params['heads']

    def padw1(n, hh):
        w = hp[n]['g'][:, None] * hp[n]['W1']
        return jnp.pad(w, ((0, 0), (0, H - hh)))

    def padb1(n, hh):
        b = hp[n]['b1'] + hp[n]['be'] @ hp[n]['W1']
        return jnp.pad(b, (0, H - hh))

    def padw2(n, hh):
        return jnp.pad(hp[n]['W2'], ((0, H - hh), (0, 0)))

    w1s = jnp.stack([padw1(n, hh) for n, hh in zip(_HEAD_ORDER, _HEAD_HIDDEN)]).astype(bf16)
    b1s = jnp.stack([padb1(n, hh) for n, hh in zip(_HEAD_ORDER, _HEAD_HIDDEN)])[:, None, :]
    w2s = jnp.stack([padw2(n, hh) for n, hh in zip(_HEAD_ORDER, _HEAD_HIDDEN)]).astype(bf16)
    b2s = jnp.stack([hp[n]['b2'] for n in _HEAD_ORDER])[:, None, :]

    grid_spec = pltpu.PrefetchScalarGridSpec(
        num_scalar_prefetch=1,
        grid=(_NB_H,),
        in_specs=[
            pl.BlockSpec((_BLK_H, H), lambda i, bh_r: (i, 0)),
            pl.BlockSpec((_BLK_H, _AMP), lambda i, bh_r: (i, 0)),
            pl.BlockSpec((_BLK_H, 1), lambda i, bh_r: (i, 0)),
            pl.BlockSpec((1, H, H), lambda i, bh_r: (bh_r[i], 0, 0)),
            pl.BlockSpec((1, 1, H), lambda i, bh_r: (bh_r[i], 0, 0)),
            pl.BlockSpec((1, H, ACT), lambda i, bh_r: (bh_r[i], 0, 0)),
            pl.BlockSpec((1, 1, ACT), lambda i, bh_r: (bh_r[i], 0, 0)),
        ],
        out_specs=[
            pl.BlockSpec((_BLK_H, 1), lambda i, bh_r: (i, 0)),
            pl.BlockSpec((_BLK_H, 1), lambda i, bh_r: (i, 0)),
        ],
    )
    logp_s, ent_s = pl.pallas_call(
        _heads_body,
        grid_spec=grid_spec,
        out_shape=[
            jax.ShapeDtypeStruct((_NP, 1), jnp.float32),
            jax.ShapeDtypeStruct((_NP, 1), jnp.float32),
        ],
    )(bh, nrm_s, am_s, act_s, w1s, b1s, w2s, b2s)
    return logp_s, ent_s


@jax.jit
def _run(x, action_mask, phase_ids, action, params):
    B = x.shape[0]
    ACT = action_mask.shape[1]
    ph2 = phase_ids.astype(jnp.int32).reshape(B, 1)

    nrm, val = _trunk(x, ph2, params)

    ridx, ridx_out, bh, act_s = _routing(phase_ids, action, B)

    bf16 = jnp.bfloat16
    am_b = jnp.pad(action_mask, ((0, 0), (0, _AMP - ACT))).astype(bf16)
    am3 = jax.lax.bitcast_convert_type(am_b.reshape(B, 128, 2), jnp.int32).reshape(B, 1, 128)
    nrm3 = jax.lax.bitcast_convert_type(nrm.reshape(B, 256, 2), jnp.int32).reshape(B, 2, 128)
    nrm_s3, am_s3 = _sc_gather(nrm3, am3, ridx)

    nrm_s = jax.lax.bitcast_convert_type(
        nrm_s3.reshape(_NP, 256), bf16).reshape(_NP, 512)
    am_s = jax.lax.bitcast_convert_type(
        am_s3.reshape(_NP, 128), bf16).reshape(_NP, _AMP)
    logp_s, ent_s = _heads(nrm_s, am_s, act_s, bh, params)

    f32 = jnp.float32
    logp = jnp.zeros((B,), f32).at[ridx_out].set(logp_s[:, 0], mode='drop')
    ent = jnp.zeros((B,), f32).at[ridx_out].set(ent_s[:, 0], mode='drop')
    return action, logp, ent, val


def kernel(x, action_mask, phase_ids, action, params):
    return _run(x, action_mask, phase_ids, action, params)

# --- scband reference (transcript-rebuilt; emitter-appended) ---
"""Pipeline reference for scband-hierarchical-agent-2723009265993 (READ-ONLY COPY).

The authoritative reference and input builder live on the scoring server;
editing this copy changes nothing except your own understanding.
"""

import jax, jax.numpy as jnp
import numpy as np

HEAD_HIDDEN = {'role_select': 512, 'settler': 256, 'builder': 512, 'mayor': 512, 'craftsman': 128, 'trader': 256, 'captain': 512}
HEAD_ORDER = ['role_select', 'settler', 'builder', 'mayor', 'craftsman', 'trader', 'captain']
# PHASE_TO_HEAD = {0:'settler',1:'mayor',2:'builder',3:'craftsman',4:'trader',5:'captain',6:'captain',7:'role_select',8:'role_select'}
PHASE_TO_HEADIDX = np.array([1, 3, 2, 4, 5, 6, 6, 0, 0], dtype=np.int64)


def _ln(x, g, b, eps=1e-5):
    m = jnp.mean(x, axis=-1, keepdims=True)
    v = jnp.mean((x - m) ** 2, axis=-1, keepdims=True)
    return (x - m) / jnp.sqrt(v + eps) * g + b


def setup_inputs(seed: int = 0) -> dict:
    key = jax.random.key(seed)
    cnt = [0]
    def nk():
        cnt[0] += 1
        return jax.random.fold_in(key, cnt[0])
    B, OBS, ACT, H, PE = 16384, 210, 200, 512, 16
    def lin(din, dout, std=0.05):
        return jax.random.normal(nk(), (din, dout), dtype=jnp.float32) * std
    params = {}
    params['phase_embed'] = jax.random.normal(nk(), (9, PE), dtype=jnp.float32)
    params['embed'] = {'W': lin(OBS + PE, H), 'b': jnp.zeros((H,), jnp.float32), 'g': jnp.ones((H,), jnp.float32), 'be': jnp.zeros((H,), jnp.float32)}
    params['blocks'] = [
        {'g': jnp.ones((H,), jnp.float32), 'be': jnp.zeros((H,), jnp.float32),
         'W1': lin(H, H), 'b1': jnp.zeros((H,), jnp.float32),
         'W2': lin(H, H), 'b2': jnp.zeros((H,), jnp.float32)}
        for _ in range(3)
    ]
    params['heads'] = {
        name: {'g': jnp.ones((H,), jnp.float32), 'be': jnp.zeros((H,), jnp.float32),
               'W1': lin(H, hh), 'b1': jnp.zeros((hh,), jnp.float32),
               'W2': lin(hh, ACT, 0.01), 'b2': jnp.zeros((ACT,), jnp.float32)}
        for name, hh in HEAD_HIDDEN.items()
    }
    params['critic'] = {'g': jnp.ones((H,), jnp.float32), 'be': jnp.zeros((H,), jnp.float32),
                        'W1': lin(H, H), 'b1': jnp.zeros((H,), jnp.float32),
                        'W2': lin(H, 1), 'b2': jnp.zeros((1,), jnp.float32)}
    x = jax.random.normal(nk(), (B, OBS), dtype=jnp.float32)
    action_mask = jnp.ones((B, ACT), dtype=jnp.float32)
    phase_ids = jax.random.randint(nk(), (B,), 0, 9)
    action = jax.random.randint(nk(), (B,), 0, ACT)
    return {'x': x, 'action_mask': action_mask, 'phase_ids': phase_ids, 'action': action, 'params': params}


def _features(x, phase_ids, params):
    pe = params['phase_embed'][phase_ids]
    c = jnp.concatenate([x, pe], axis=-1)
    e = params['embed']
    h = jax.nn.relu(_ln(c @ e['W'] + e['b'], e['g'], e['be']))
    for blk in params['blocks']:
        t = _ln(h, blk['g'], blk['be'])
        t = jax.nn.relu(t @ blk['W1'] + blk['b1'])
        t = jax.nn.relu(t @ blk['W2'] + blk['b2'])
        h = h + t
    return h


def reference(x, action_mask, phase_ids, action, params):
    feats = _features(x, phase_ids, params)
    c = params['critic']
    v = jax.nn.relu(_ln(feats, c['g'], c['be']) @ c['W1'] + c['b1'])
    value = v @ c['W2'] + c['b2']
    head_logits = []
    for name in HEAD_ORDER:
        p = params['heads'][name]
        t = _ln(feats, p['g'], p['be'])
        t = jax.nn.relu(t @ p['W1'] + p['b1'])
        head_logits.append(t @ p['W2'] + p['b2'])
    all_logits = jnp.stack(head_logits, axis=0)
    hidx = jnp.asarray(PHASE_TO_HEADIDX)[phase_ids]
    logits = all_logits[hidx, jnp.arange(x.shape[0])]
    masked = jnp.where(action_mask > 0.5, logits, jnp.float32(-1e8))
    logp = jax.nn.log_softmax(masked, axis=-1)
    log_prob = jnp.take_along_axis(logp, action[:, None], axis=1)[:, 0]
    probs = jnp.exp(logp)
    entropy = -jnp.sum(probs * logp, axis=-1)
    return (action, log_prob, entropy, value)

if __name__ == "__main__":
    import jax
    _d = setup_inputs()
    print(jax.jit(kernel)(*tuple(_d.values())))

</pallas_src>

<mosaic_0001>
#map = affine_map<(d0, d1) -> (0, 0, 0)>
#map1 = affine_map<(d0, d1) -> (0)>
module attributes {stable_mosaic.version = 14 : i64} {
  func.func @gk(%arg0: i32, %arg1: i32, %arg2: memref<16384x2x128xi32, #tpu.memory_space<hbm>>, %arg3: memref<16384x1x128xi32, #tpu.memory_space<hbm>>, %arg4: memref<18432xi32, #tpu.memory_space<hbm>>, %arg5: memref<18432x2x128xi32, #tpu.memory_space<hbm>>, %arg6: memref<18432x1x128xi32, #tpu.memory_space<hbm>>, %arg7: memref<576xi32, #tpu.memory_space<vmem>>, %arg8: memref<192x2x128xi32, #tpu.memory_space<vmem>>, %arg9: memref<192x1x128xi32, #tpu.memory_space<vmem>>, %arg10: memref<!tpu.dma_semaphore, #tpu.memory_space<semaphore_mem>>, %arg11: memref<!tpu.dma_semaphore, #tpu.memory_space<semaphore_mem>>) attributes {dimension_semantics = [#tpu.dimension_semantics<core_parallel>, #tpu.dimension_semantics<subcore_parallel>], iteration_bounds = array<i64: 2, 16>, scalar_prefetch = 0 : i64, scratch_operands = 5 : i64, tpu.core_type = #tpu.core_type<sc_vector_subcore>, window_params = [{transform_indices = #map}, {transform_indices = #map}, {transform_indices = #map1}, {transform_indices = #map}, {transform_indices = #map}]} {
    %mul3A = arith.constant 2 : i32
    %mul3A_0 = arith.muli %arg1, %mul3A : i32
    %add3A = arith.addi %mul3A_0, %arg0 : i32
    %mul3A_1 = arith.constant 576 : i32
    %mul3A_2 = arith.muli %add3A, %mul3A_1 : i32
    "tpu.region"() ({
      %run_scoped3A = tpu.sem_alloc : memref<!tpu.dma_semaphore, #tpu.memory_space<semaphore_mem>>
      %dma_start3A_85 = tpu.memref_slice %arg4[%mul3A_2] : memref<18432xi32, #tpu.memory_space<hbm>> -> memref<576xi32, #tpu.memory_space<hbm>>
      %dma_start3A_86 = tpu.memref_slice %arg4[%mul3A_2] : memref<18432xi32, #tpu.memory_space<hbm>> -> memref<576xi32, #tpu.memory_space<hbm>>
      tpu.enqueue_dma source(%dma_start3A_86 : memref<576xi32, #tpu.memory_space<hbm>>) target(%arg7 : memref<576xi32, #tpu.memory_space<vmem>>) target_semaphore(%run_scoped3A : memref<!tpu.dma_semaphore, #tpu.memory_space<semaphore_mem>>)
      %dma_wait3A_87 = tpu.memref_slice %arg4[%mul3A_2] : memref<18432xi32, #tpu.memory_space<hbm>> -> memref<576xi32, #tpu.memory_space<hbm>>
      %dma_wait3A_88 = tpu.memref_slice %arg4[%mul3A_2] : memref<18432xi32, #tpu.memory_space<hbm>> -> memref<576xi32, #tpu.memory_space<hbm>>
      tpu.wait_dma2 semaphore(%run_scoped3A : memref<!tpu.dma_semaphore, #tpu.memory_space<semaphore_mem>>) src(%dma_wait3A_88 : memref<576xi32, #tpu.memory_space<hbm>>) dst(%arg7 : memref<576xi32, #tpu.memory_space<vmem>>)
      tpu.yield
    }) : () -> ()
    %dma_start3A = arith.constant 0 : i32
    %dma_start3A_3 = tpu.memref_slice %arg7[%dma_start3A] : memref<576xi32, #tpu.memory_space<vmem>> -> memref<192xi32, #tpu.memory_space<vmem>>
    %dma_start3A_4 = arith.constant 0 : i32
    %dma_start3A_5 = arith.constant 0 : i32
    %dma_start3A_6 = arith.constant 0 : i32
    %dma_start3A_7 = tpu.memref_slice %arg2[%dma_start3A_4, %dma_start3A_5, %dma_start3A_6] : memref<16384x2x128xi32, #tpu.memory_space<hbm>> -> memref<16384x2x128xi32, #tpu.memory_space<hbm>>
    tpu.enqueue_indirect_dma source(%dma_start3A_7 : memref<16384x2x128xi32, #tpu.memory_space<hbm>>) target(%arg8 : memref<192x2x128xi32, #tpu.memory_space<vmem>>) offsets(%dma_start3A_3 : memref<192xi32, #tpu.memory_space<vmem>>) semaphore(%arg10 : memref<!tpu.dma_semaphore, #tpu.memory_space<semaphore_mem>>)
    %dma_start3A_8 = arith.constant 0 : i32
    %dma_start3A_9 = tpu.memref_slice %arg7[%dma_start3A_8] : memref<576xi32, #tpu.memory_space<vmem>> -> memref<192xi32, #tpu.memory_space<vmem>>
    %dma_start3A_10 = arith.constant 0 : i32
    %dma_start3A_11 = arith.constant 0 : i32
    %dma_start3A_12 = arith.constant 0 : i32
    %dma_start3A_13 = tpu.memref_slice %arg3[%dma_start3A_10, %dma_start3A_11, %dma_start3A_12] : memref<16384x1x128xi32, #tpu.memory_space<hbm>> -> memref<16384x1x128xi32, #tpu.memory_space<hbm>>
    tpu.enqueue_indirect_dma source(%dma_start3A_13 : memref<16384x1x128xi32, #tpu.memory_space<hbm>>) target(%arg9 : memref<192x1x128xi32, #tpu.memory_space<vmem>>) offsets(%dma_start3A_9 : memref<192xi32, #tpu.memory_space<vmem>>) semaphore(%arg11 : memref<!tpu.dma_semaphore, #tpu.memory_space<semaphore_mem>>)
    %dma_wait3A = arith.constant 0 : i32
    %dma_wait3A_14 = tpu.memref_slice %arg7[%dma_wait3A] : memref<576xi32, #tpu.memory_space<vmem>> -> memref<192xi32, #tpu.memory_space<vmem>>
    %dma_wait3A_15 = arith.constant 0 : i32
    %dma_wait3A_16 = arith.constant 0 : i32
    %dma_wait3A_17 = arith.constant 0 : i32
    %dma_wait3A_18 = tpu.memref_slice %arg2[%dma_wait3A_15, %dma_wait3A_16, %dma_wait3A_17] : memref<16384x2x128xi32, #tpu.memory_space<hbm>> -> memref<16384x2x128xi32, #tpu.memory_space<hbm>>
    tpu.wait_indirect_dma semaphore(%arg10 : memref<!tpu.dma_semaphore, #tpu.memory_space<semaphore_mem>>) src(%dma_wait3A_18 : memref<16384x2x128xi32, #tpu.memory_space<hbm>>) dst(%arg8 : memref<192x2x128xi32, #tpu.memory_space<vmem>>)
    %dma_wait3A_19 = arith.constant 0 : i32
    %dma_wait3A_20 = tpu.memref_slice %arg7[%dma_wait3A_19] : memref<576xi32, #tpu.memory_space<vmem>> -> memref<192xi32, #tpu.memory_space<vmem>>
    %dma_wait3A_21 = arith.constant 0 : i32
    %dma_wait3A_22 = arith.constant 0 : i32
    %dma_wait3A_23 = arith.constant 0 : i32
    %dma_wait3A_24 = tpu.memref_slice %arg3[%dma_wait3A_21, %dma_wait3A_22, %dma_wait3A_23] : memref<16384x1x128xi32, #tpu.memory_space<hbm>> -> memref<16384x1x128xi32, #tpu.memory_space<hbm>>
    tpu.wait_indirect_dma semaphore(%arg11 : memref<!tpu.dma_semaphore, #tpu.memory_space<semaphore_mem>>) src(%dma_wait3A_24 : memref<16384x1x128xi32, #tpu.memory_space<hbm>>) dst(%arg9 : memref<192x1x128xi32, #tpu.memory_space<vmem>>)
    %add3A_25 = arith.constant 0 : i32
    %add3A_26 = arith.addi %mul3A_2, %add3A_25 : i32
    "tpu.region"() ({
      %run_scoped3A = tpu.sem_alloc : memref<!tpu.dma_semaphore, #tpu.memory_space<semaphore_mem>>
      %dma_start3A_85 = arith.constant 0 : i32
      %dma_start3A_86 = arith.constant 0 : i32
      %dma_start3A_87 = tpu.memref_slice %arg5[%add3A_26, %dma_start3A_85, %dma_start3A_86] : memref<18432x2x128xi32, #tpu.memory_space<hbm>> -> memref<192x2x128xi32, #tpu.memory_space<hbm>>
      %dma_start3A_88 = arith.constant 0 : i32
      %dma_start3A_89 = arith.constant 0 : i32
      %dma_start3A_90 = tpu.memref_slice %arg5[%add3A_26, %dma_start3A_88, %dma_start3A_89] : memref<18432x2x128xi32, #tpu.memory_space<hbm>> -> memref<192x2x128xi32, #tpu.memory_space<hbm>>
      tpu.enqueue_dma source(%arg8 : memref<192x2x128xi32, #tpu.memory_space<vmem>>) target(%dma_start3A_90 : memref<192x2x128xi32, #tpu.memory_space<hbm>>) target_semaphore(%run_scoped3A : memref<!tpu.dma_semaphore, #tpu.memory_space<semaphore_mem>>)
      %dma_wait3A_91 = arith.constant 0 : i32
      %dma_wait3A_92 = arith.constant 0 : i32
      %dma_wait3A_93 = tpu.memref_slice %arg5[%add3A_26, %dma_wait3A_91, %dma_wait3A_92] : memref<18432x2x128xi32, #tpu.memory_space<hbm>> -> memref<192x2x128xi32, #tpu.memory_space<hbm>>
      %dma_wait3A_94 = arith.constant 0 : i32
      %dma_wait3A_95 = arith.constant 0 : i32
      %dma_wait3A_96 = tpu.memref_slice %arg5[%add3A_26, %dma_wait3A_94, %dma_wait3A_95] : memref<18432x2x128xi32, #tpu.memory_space<hbm>> -> memref<192x2x128xi32, #tpu.memory_space<hbm>>
      tpu.wait_dma2 semaphore(%run_scoped3A : memref<!tpu.dma_semaphore, #tpu.memory_space<semaphore_mem>>) src(%arg8 : memref<192x2x128xi32, #tpu.memory_space<vmem>>) dst(%dma_wait3A_96 : memref<192x2x128xi32, #tpu.memory_space<hbm>>)
      tpu.yield
    }) : () -> ()
    %add3A_27 = arith.constant 0 : i32
    %add3A_28 = arith.addi %mul3A_2, %add3A_27 : i32
    "tpu.region"() ({
      %run_scoped3A = tpu.sem_alloc : memref<!tpu.dma_semaphore, #tpu.memory_space<semaphore_mem>>
      %dma_start3A_85 = arith.constant 0 : i32
      %dma_start3A_86 = arith.constant 0 : i32
      %dma_start3A_87 = tpu.memref_slice %arg6[%add3A_28, %dma_start3A_85, %dma_start3A_86] : memref<18432x1x128xi32, #tpu.memory_space<hbm>> -> memref<192x1x128xi32, #tpu.memory_space<hbm>>
      %dma_start3A_88 = arith.constant 0 : i32
      %dma_start3A_89 = arith.constant 0 : i32
      %dma_start3A_90 = tpu.memref_slice %arg6[%add3A_28, %dma_start3A_88, %dma_start3A_89] : memref<18432x1x128xi32, #tpu.memory_space<hbm>> -> memref<192x1x128xi32, #tpu.memory_space<hbm>>
      tpu.enqueue_dma source(%arg9 : memref<192x1x128xi32, #tpu.memory_space<vmem>>) target(%dma_start3A_90 : memref<192x1x128xi32, #tpu.memory_space<hbm>>) target_semaphore(%run_scoped3A : memref<!tpu.dma_semaphore, #tpu.memory_space<semaphore_mem>>)
      %dma_wait3A_91 = arith.constant 0 : i32
      %dma_wait3A_92 = arith.constant 0 : i32
      %dma_wait3A_93 = tpu.memref_slice %arg6[%add3A_28, %dma_wait3A_91, %dma_wait3A_92] : memref<18432x1x128xi32, #tpu.memory_space<hbm>> -> memref<192x1x128xi32, #tpu.memory_space<hbm>>
      %dma_wait3A_94 = arith.constant 0 : i32
      %dma_wait3A_95 = arith.constant 0 : i32
      %dma_wait3A_96 = tpu.memref_slice %arg6[%add3A_28, %dma_wait3A_94, %dma_wait3A_95] : memref<18432x1x128xi32, #tpu.memory_space<hbm>> -> memref<192x1x128xi32, #tpu.memory_space<hbm>>
      tpu.wait_dma2 semaphore(%run_scoped3A : memref<!tpu.dma_semaphore, #tpu.memory_space<semaphore_mem>>) src(%arg9 : memref<192x1x128xi32, #tpu.memory_space<vmem>>) dst(%dma_wait3A_96 : memref<192x1x128xi32, #tpu.memory_space<hbm>>)
      tpu.yield
    }) : () -> ()
    %dma_start3A_29 = arith.constant 192 : i32
    %dma_start3A_30 = tpu.memref_slice %arg7[%dma_start3A_29] : memref<576xi32, #tpu.memory_space<vmem>> -> memref<192xi32, #tpu.memory_space<vmem>>
    %dma_start3A_31 = arith.constant 0 : i32
    %dma_start3A_32 = arith.constant 0 : i32
    %dma_start3A_33 = arith.constant 0 : i32
    %dma_start3A_34 = tpu.memref_slice %arg2[%dma_start3A_31, %dma_start3A_32, %dma_start3A_33] : memref<16384x2x128xi32, #tpu.memory_space<hbm>> -> memref<16384x2x128xi32, #tpu.memory_space<hbm>>
    tpu.enqueue_indirect_dma source(%dma_start3A_34 : memref<16384x2x128xi32, #tpu.memory_space<hbm>>) target(%arg8 : memref<192x2x128xi32, #tpu.memory_space<vmem>>) offsets(%dma_start3A_30 : memref<192xi32, #tpu.memory_space<vmem>>) semaphore(%arg10 : memref<!tpu.dma_semaphore, #tpu.memory_space<semaphore_mem>>)
    %dma_start3A_35 = arith.constant 192 : i32
    %dma_start3A_36 = tpu.memref_slice %arg7[%dma_start3A_35] : memref<576xi32, #tpu.memory_space<vmem>> -> memref<192xi32, #tpu.memory_space<vmem>>
    %dma_start3A_37 = arith.constant 0 : i32
    %dma_start3A_38 = arith.constant 0 : i32
    %dma_start3A_39 = arith.constant 0 : i32
    %dma_start3A_40 = tpu.memref_slice %arg3[%dma_start3A_37, %dma_start3A_38, %dma_start3A_39] : memref<16384x1x128xi32, #tpu.memory_space<hbm>> -> memref<16384x1x128xi32, #tpu.memory_space<hbm>>
    tpu.enqueue_indirect_dma source(%dma_start3A_40 : memref<16384x1x128xi32, #tpu.memory_space<hbm>>) target(%arg9 : memref<192x1x128xi32, #tpu.memory_space<vmem>>) offsets(%dma_start3A_36 : memref<192xi32, #tpu.memory_space<vmem>>) semaphore(%arg11 : memref<!tpu.dma_semaphore, #tpu.memory_space<semaphore_mem>>)
    %dma_wait3A_41 = arith.constant 192 : i32
    %dma_wait3A_42 = tpu.memref_slice %arg7[%dma_wait3A_41] : memref<576xi32, #tpu.memory_space<vmem>> -> memref<192xi32, #tpu.memory_space<vmem>>
    %dma_wait3A_43 = arith.constant 0 : i32
    %dma_wait3A_44 = arith.constant 0 : i32
    %dma_wait3A_45 = arith.constant 0 : i32
    %dma_wait3A_46 = tpu.memref_slice %arg2[%dma_wait3A_43, %dma_wait3A_44, %dma_wait3A_45] : memref<16384x2x128xi32, #tpu.memory_space<hbm>> -> memref<16384x2x128xi32, #tpu.memory_space<hbm>>
    tpu.wait_indirect_dma semaphore(%arg10 : memref<!tpu.dma_semaphore, #tpu.memory_space<semaphore_mem>>) src(%dma_wait3A_46 : memref<16384x2x128xi32, #tpu.memory_space<hbm>>) dst(%arg8 : memref<192x2x128xi32, #tpu.memory_space<vmem>>)
    %dma_wait3A_47 = arith.constant 192 : i32
    %dma_wait3A_48 = tpu.memref_slice %arg7[%dma_wait3A_47] : memref<576xi32, #tpu.memory_space<vmem>> -> memref<192xi32, #tpu.memory_space<vmem>>
    %dma_wait3A_49 = arith.constant 0 : i32
    %dma_wait3A_50 = arith.constant 0 : i32
    %dma_wait3A_51 = arith.constant 0 : i32
    %dma_wait3A_52 = tpu.memref_slice %arg3[%dma_wait3A_49, %dma_wait3A_50, %dma_wait3A_51] : memref<16384x1x128xi32, #tpu.memory_space<hbm>> -> memref<16384x1x128xi32, #tpu.memory_space<hbm>>
    tpu.wait_indirect_dma semaphore(%arg11 : memref<!tpu.dma_semaphore, #tpu.memory_space<semaphore_mem>>) src(%dma_wait3A_52 : memref<16384x1x128xi32, #tpu.memory_space<hbm>>) dst(%arg9 : memref<192x1x128xi32, #tpu.memory_space<vmem>>)
    %add3A_53 = arith.constant 192 : i32
    %add3A_54 = arith.addi %mul3A_2, %add3A_53 : i32
    "tpu.region"() ({
      %run_scoped3A = tpu.sem_alloc : memref<!tpu.dma_semaphore, #tpu.memory_space<semaphore_mem>>
      %dma_start3A_85 = arith.constant 0 : i32
      %dma_start3A_86 = arith.constant 0 : i32
      %dma_start3A_87 = tpu.memref_slice %arg5[%add3A_54, %dma_start3A_85, %dma_start3A_86] : memref<18432x2x128xi32, #tpu.memory_space<hbm>> -> memref<192x2x128xi32, #tpu.memory_space<hbm>>
      %dma_start3A_88 = arith.constant 0 : i32
      %dma_start3A_89 = arith.constant 0 : i32
      %dma_start3A_90 = tpu.memref_slice %arg5[%add3A_54, %dma_start3A_88, %dma_start3A_89] : memref<18432x2x128xi32, #tpu.memory_space<hbm>> -> memref<192x2x128xi32, #tpu.memory_space<hbm>>
      tpu.enqueue_dma source(%arg8 : memref<192x2x128xi32, #tpu.memory_space<vmem>>) target(%dma_start3A_90 : memref<192x2x128xi32, #tpu.memory_space<hbm>>) target_semaphore(%run_scoped3A : memref<!tpu.dma_semaphore, #tpu.memory_space<semaphore_mem>>)
      %dma_wait3A_91 = arith.constant 0 : i32
      %dma_wait3A_92 = arith.constant 0 : i32
      %dma_wait3A_93 = tpu.memref_slice %arg5[%add3A_54, %dma_wait3A_91, %dma_wait3A_92] : memref<18432x2x128xi32, #tpu.memory_space<hbm>> -> memref<192x2x128xi32, #tpu.memory_space<hbm>>
      %dma_wait3A_94 = arith.constant 0 : i32
      %dma_wait3A_95 = arith.constant 0 : i32
      %dma_wait3A_96 = tpu.memref_slice %arg5[%add3A_54, %dma_wait3A_94, %dma_wait3A_95] : memref<18432x2x128xi32, #tpu.memory_space<hbm>> -> memref<192x2x128xi32, #tpu.memory_space<hbm>>
      tpu.wait_dma2 semaphore(%run_scoped3A : memref<!tpu.dma_semaphore, #tpu.memory_space<semaphore_mem>>) src(%arg8 : memref<192x2x128xi32, #tpu.memory_space<vmem>>) dst(%dma_wait3A_96 : memref<192x2x128xi32, #tpu.memory_space<hbm>>)
      tpu.yield
    }) : () -> ()
    %add3A_55 = arith.constant 192 : i32
    %add3A_56 = arith.addi %mul3A_2, %add3A_55 : i32
    "tpu.region"() ({
      %run_scoped3A = tpu.sem_alloc : memref<!tpu.dma_semaphore, #tpu.memory_space<semaphore_mem>>
      %dma_start3A_85 = arith.constant 0 : i32
      %dma_start3A_86 = arith.constant 0 : i32
      %dma_start3A_87 = tpu.memref_slice %arg6[%add3A_56, %dma_start3A_85, %dma_start3A_86] : memref<18432x1x128xi32, #tpu.memory_space<hbm>> -> memref<192x1x128xi32, #tpu.memory_space<hbm>>
      %dma_start3A_88 = arith.constant 0 : i32
      %dma_start3A_89 = arith.constant 0 : i32
      %dma_start3A_90 = tpu.memref_slice %arg6[%add3A_56, %dma_start3A_88, %dma_start3A_89] : memref<18432x1x128xi32, #tpu.memory_space<hbm>> -> memref<192x1x128xi32, #tpu.memory_space<hbm>>
      tpu.enqueue_dma source(%arg9 : memref<192x1x128xi32, #tpu.memory_space<vmem>>) target(%dma_start3A_90 : memref<192x1x128xi32, #tpu.memory_space<hbm>>) target_semaphore(%run_scoped3A : memref<!tpu.dma_semaphore, #tpu.memory_space<semaphore_mem>>)
      %dma_wait3A_91 = arith.constant 0 : i32
      %dma_wait3A_92 = arith.constant 0 : i32
      %dma_wait3A_93 = tpu.memref_slice %arg6[%add3A_56, %dma_wait3A_91, %dma_wait3A_92] : memref<18432x1x128xi32, #tpu.memory_space<hbm>> -> memref<192x1x128xi32, #tpu.memory_space<hbm>>
      %dma_wait3A_94 = arith.constant 0 : i32
      %dma_wait3A_95 = arith.constant 0 : i32
      %dma_wait3A_96 = tpu.memref_slice %arg6[%add3A_56, %dma_wait3A_94, %dma_wait3A_95] : memref<18432x1x128xi32, #tpu.memory_space<hbm>> -> memref<192x1x128xi32, #tpu.memory_space<hbm>>
      tpu.wait_dma2 semaphore(%run_scoped3A : memref<!tpu.dma_semaphore, #tpu.memory_space<semaphore_mem>>) src(%arg9 : memref<192x1x128xi32, #tpu.memory_space<vmem>>) dst(%dma_wait3A_96 : memref<192x1x128xi32, #tpu.memory_space<hbm>>)
      tpu.yield
    }) : () -> ()
    %dma_start3A_57 = arith.constant 384 : i32
    %dma_start3A_58 = tpu.memref_slice %arg7[%dma_start3A_57] : memref<576xi32, #tpu.memory_space<vmem>> -> memref<192xi32, #tpu.memory_space<vmem>>
    %dma_start3A_59 = arith.constant 0 : i32
    %dma_start3A_60 = arith.constant 0 : i32
    %dma_start3A_61 = arith.constant 0 : i32
    %dma_start3A_62 = tpu.memref_slice %arg2[%dma_start3A_59, %dma_start3A_60, %dma_start3A_61] : memref<16384x2x128xi32, #tpu.memory_space<hbm>> -> memref<16384x2x128xi32, #tpu.memory_space<hbm>>
    tpu.enqueue_indirect_dma source(%dma_start3A_62 : memref<16384x2x128xi32, #tpu.memory_space<hbm>>) target(%arg8 : memref<192x2x128xi32, #tpu.memory_space<vmem>>) offsets(%dma_start3A_58 : memref<192xi32, #tpu.memory_space<vmem>>) semaphore(%arg10 : memref<!tpu.dma_semaphore, #tpu.memory_space<semaphore_mem>>)
    %dma_start3A_63 = arith.constant 384 : i32
    %dma_start3A_64 = tpu.memref_slice %arg7[%dma_start3A_63] : memref<576xi32, #tpu.memory_space<vmem>> -> memref<192xi32, #tpu.memory_space<vmem>>
    %dma_start3A_65 = arith.constant 0 : i32
    %dma_start3A_66 = arith.constant 0 : i32
    %dma_start3A_67 = arith.constant 0 : i32
    %dma_start3A_68 = tpu.memref_slice %arg3[%dma_start3A_65, %dma_start3A_66, %dma_start3A_67] : memref<16384x1x128xi32, #tpu.memory_space<hbm>> -> memref<16384x1x128xi32, #tpu.memory_space<hbm>>
    tpu.enqueue_indirect_dma source(%dma_start3A_68 : memref<16384x1x128xi32, #tpu.memory_space<hbm>>) target(%arg9 : memref<192x1x128xi32, #tpu.memory_space<vmem>>) offsets(%dma_start3A_64 : memref<192xi32, #tpu.memory_space<vmem>>) semaphore(%arg11 : memref<!tpu.dma_semaphore, #tpu.memory_space<semaphore_mem>>)
    %dma_wait3A_69 = arith.constant 384 : i32
    %dma_wait3A_70 = tpu.memref_slice %arg7[%dma_wait3A_69] : memref<576xi32, #tpu.memory_space<vmem>> -> memref<192xi32, #tpu.memory_space<vmem>>
    %dma_wait3A_71 = arith.constant 0 : i32
    %dma_wait3A_72 = arith.constant 0 : i32
    %dma_wait3A_73 = arith.constant 0 : i32
    %dma_wait3A_74 = tpu.memref_slice %arg2[%dma_wait3A_71, %dma_wait3A_72, %dma_wait3A_73] : memref<16384x2x128xi32, #tpu.memory_space<hbm>> -> memref<16384x2x128xi32, #tpu.memory_space<hbm>>
    tpu.wait_indirect_dma semaphore(%arg10 : memref<!tpu.dma_semaphore, #tpu.memory_space<semaphore_mem>>) src(%dma_wait3A_74 : memref<16384x2x128xi32, #tpu.memory_space<hbm>>) dst(%arg8 : memref<192x2x128xi32, #tpu.memory_space<vmem>>)
    %dma_wait3A_75 = arith.constant 384 : i32
    %dma_wait3A_76 = tpu.memref_slice %arg7[%dma_wait3A_75] : memref<576xi32, #tpu.memory_space<vmem>> -> memref<192xi32, #tpu.memory_space<vmem>>
    %dma_wait3A_77 = arith.constant 0 : i32
    %dma_wait3A_78 = arith.constant 0 : i32
    %dma_wait3A_79 = arith.constant 0 : i32
    %dma_wait3A_80 = tpu.memref_slice %arg3[%dma_wait3A_77, %dma_wait3A_78, %dma_wait3A_79] : memref<16384x1x128xi32, #tpu.memory_space<hbm>> -> memref<16384x1x128xi32, #tpu.memory_space<hbm>>
    tpu.wait_indirect_dma semaphore(%arg11 : memref<!tpu.dma_semaphore, #tpu.memory_space<semaphore_mem>>) src(%dma_wait3A_80 : memref<16384x1x128xi32, #tpu.memory_space<hbm>>) dst(%arg9 : memref<192x1x128xi32, #tpu.memory_space<vmem>>)
    %add3A_81 = arith.constant 384 : i32
    %add3A_82 = arith.addi %mul3A_2, %add3A_81 : i32
    "tpu.region"() ({
      %run_scoped3A = tpu.sem_alloc : memref<!tpu.dma_semaphore, #tpu.memory_space<semaphore_mem>>
      %dma_start3A_85 = arith.constant 0 : i32
      %dma_start3A_86 = arith.constant 0 : i32
      %dma_start3A_87 = tpu.memref_slice %arg5[%add3A_82, %dma_start3A_85, %dma_start3A_86] : memref<18432x2x128xi32, #tpu.memory_space<hbm>> -> memref<192x2x128xi32, #tpu.memory_space<hbm>>
      %dma_start3A_88 = arith.constant 0 : i32
      %dma_start3A_89 = arith.constant 0 : i32
      %dma_start3A_90 = tpu.memref_slice %arg5[%add3A_82, %dma_start3A_88, %dma_start3A_89] : memref<18432x2x128xi32, #tpu.memory_space<hbm>> -> memref<192x2x128xi32, #tpu.memory_space<hbm>>
      tpu.enqueue_dma source(%arg8 : memref<192x2x128xi32, #tpu.memory_space<vmem>>) target(%dma_start3A_90 : memref<192x2x128xi32, #tpu.memory_space<hbm>>) target_semaphore(%run_scoped3A : memref<!tpu.dma_semaphore, #tpu.memory_space<semaphore_mem>>)
      %dma_wait3A_91 = arith.constant 0 : i32
      %dma_wait3A_92 = arith.constant 0 : i32
      %dma_wait3A_93 = tpu.memref_slice %arg5[%add3A_82, %dma_wait3A_91, %dma_wait3A_92] : memref<18432x2x128xi32, #tpu.memory_space<hbm>> -> memref<192x2x128xi32, #tpu.memory_space<hbm>>
      %dma_wait3A_94 = arith.constant 0 : i32
      %dma_wait3A_95 = arith.constant 0 : i32
      %dma_wait3A_96 = tpu.memref_slice %arg5[%add3A_82, %dma_wait3A_94, %dma_wait3A_95] : memref<18432x2x128xi32, #tpu.memory_space<hbm>> -> memref<192x2x128xi32, #tpu.memory_space<hbm>>
      tpu.wait_dma2 semaphore(%run_scoped3A : memref<!tpu.dma_semaphore, #tpu.memory_space<semaphore_mem>>) src(%arg8 : memref<192x2x128xi32, #tpu.memory_space<vmem>>) dst(%dma_wait3A_96 : memref<192x2x128xi32, #tpu.memory_space<hbm>>)
      tpu.yield
    }) : () -> ()
    %add3A_83 = arith.constant 384 : i32
    %add3A_84 = arith.addi %mul3A_2, %add3A_83 : i32
    "tpu.region"() ({
      %run_scoped3A = tpu.sem_alloc : memref<!tpu.dma_semaphore, #tpu.memory_space<semaphore_mem>>
      %dma_start3A_85 = arith.constant 0 : i32
      %dma_start3A_86 = arith.constant 0 : i32
      %dma_start3A_87 = tpu.memref_slice %arg6[%add3A_84, %dma_start3A_85, %dma_start3A_86] : memref<18432x1x128xi32, #tpu.memory_space<hbm>> -> memref<192x1x128xi32, #tpu.memory_space<hbm>>
      %dma_start3A_88 = arith.constant 0 : i32
      %dma_start3A_89 = arith.constant 0 : i32
      %dma_start3A_90 = tpu.memref_slice %arg6[%add3A_84, %dma_start3A_88, %dma_start3A_89] : memref<18432x1x128xi32, #tpu.memory_space<hbm>> -> memref<192x1x128xi32, #tpu.memory_space<hbm>>
      tpu.enqueue_dma source(%arg9 : memref<192x1x128xi32, #tpu.memory_space<vmem>>) target(%dma_start3A_90 : memref<192x1x128xi32, #tpu.memory_space<hbm>>) target_semaphore(%run_scoped3A : memref<!tpu.dma_semaphore, #tpu.memory_space<semaphore_mem>>)
      %dma_wait3A_91 = arith.constant 0 : i32
      %dma_wait3A_92 = arith.constant 0 : i32
      %dma_wait3A_93 = tpu.memref_slice %arg6[%add3A_84, %dma_wait3A_91, %dma_wait3A_92] : memref<18432x1x128xi32, #tpu.memory_space<hbm>> -> memref<192x1x128xi32, #tpu.memory_space<hbm>>
      %dma_wait3A_94 = arith.constant 0 : i32
      %dma_wait3A_95 = arith.constant 0 : i32
      %dma_wait3A_96 = tpu.memref_slice %arg6[%add3A_84, %dma_wait3A_94, %dma_wait3A_95] : memref<18432x1x128xi32, #tpu.memory_space<hbm>> -> memref<192x1x128xi32, #tpu.memory_space<hbm>>
      tpu.wait_dma2 semaphore(%run_scoped3A : memref<!tpu.dma_semaphore, #tpu.memory_space<semaphore_mem>>) src(%arg9 : memref<192x1x128xi32, #tpu.memory_space<vmem>>) dst(%dma_wait3A_96 : memref<192x1x128xi32, #tpu.memory_space<hbm>>)
      tpu.yield
    }) : () -> ()
    return
  }
}

module attributes {stable_mosaic.version = 14 : i64} {
  func.func @_trunk_body(%arg0: i32, %arg1: memref<512x210xf32, #tpu.memory_space<vmem>>, %arg2: memref<512x1xi32, #tpu.memory_space<vmem>>, %arg3: memref<9x16xf32, #tpu.memory_space<vmem>>, %arg4: memref<210x512xbf16, #tpu.memory_space<vmem>>, %arg5: memref<16x512xbf16, #tpu.memory_space<vmem>>, %arg6: memref<512xf32, #tpu.memory_space<vmem>>, %arg7: memref<512xf32, #tpu.memory_space<vmem>>, %arg8: memref<512xf32, #tpu.memory_space<vmem>>, %arg9: memref<3x512x512xbf16, #tpu.memory_space<vmem>>, %arg10: memref<3x512xf32, #tpu.memory_space<vmem>>, %arg11: memref<3x512x512xbf16, #tpu.memory_space<vmem>>, %arg12: memref<3x512xf32, #tpu.memory_space<vmem>>, %arg13: memref<512x512xbf16, #tpu.memory_space<vmem>>, %arg14: memref<512xf32, #tpu.memory_space<vmem>>, %arg15: memref<512x1xbf16, #tpu.memory_space<vmem>>, %arg16: memref<1xf32, #tpu.memory_space<vmem>>, %arg17: memref<512x512xbf16, #tpu.memory_space<vmem>>, %arg18: memref<512x1xf32, #tpu.memory_space<vmem>>) attributes {dimension_semantics = [#tpu.dimension_semantics<arbitrary>], iteration_bounds = array<i64: 32>, scalar_prefetch = 0 : i64, scratch_operands = 0 : i64, tpu.core_type = #tpu.core_type<tc>, window_params = [{transform_indices = @transform_0, window_bounds = array<i64: 512, 210>}, {transform_indices = @transform_1, window_bounds = array<i64: 512, 1>}, {pipeline_mode = #tpu.pipeline_mode<synchronous>, transform_indices = @transform_2, window_bounds = array<i64: 9, 16>}, {pipeline_mode = #tpu.pipeline_mode<synchronous>, transform_indices = @transform_3, window_bounds = array<i64: 210, 512>}, {pipeline_mode = #tpu.pipeline_mode<synchronous>, transform_indices = @transform_4, window_bounds = array<i64: 16, 512>}, {pipeline_mode = #tpu.pipeline_mode<synchronous>, transform_indices = @transform_5, window_bounds = array<i64: 512>}, {pipeline_mode = #tpu.pipeline_mode<synchronous>, transform_indices = @transform_6, window_bounds = array<i64: 512>}, {pipeline_mode = #tpu.pipeline_mode<synchronous>, transform_indices = @transform_7, window_bounds = array<i64: 512>}, {pipeline_mode = #tpu.pipeline_mode<synchronous>, transform_indices = @transform_8, window_bounds = array<i64: 3, 512, 512>}, {pipeline_mode = #tpu.pipeline_mode<synchronous>, transform_indices = @transform_9, window_bounds = array<i64: 3, 512>}, {pipeline_mode = #tpu.pipeline_mode<synchronous>, transform_indices = @transform_10, window_bounds = array<i64: 3, 512, 512>}, {pipeline_mode = #tpu.pipeline_mode<synchronous>, transform_indices = @transform_11, window_bounds = array<i64: 3, 512>}, {pipeline_mode = #tpu.pipeline_mode<synchronous>, transform_indices = @transform_12, window_bounds = array<i64: 512, 512>}, {pipeline_mode = #tpu.pipeline_mode<synchronous>, transform_indices = @transform_13, window_bounds = array<i64: 512>}, {pipeline_mode = #tpu.pipeline_mode<synchronous>, transform_indices = @transform_14, window_bounds = array<i64: 512, 1>}, {pipeline_mode = #tpu.pipeline_mode<synchronous>, transform_indices = @transform_15, window_bounds = array<i64: 1>}, {transform_indices = @transform_16, window_bounds = array<i64: 512, 512>}, {transform_indices = @transform_17, window_bounds = array<i64: 512, 1>}]} {
    %get3A = arith.constant 0 : index
    %get3A_0 = arith.constant 0 : index
    %get3A_1 = vector.load %arg2[%get3A, %get3A_0] : memref<512x1xi32, #tpu.memory_space<vmem>>, vector<512x1xi32>
    %iota3A = tpu.iota {dimensions = array<i32: 1>} : vector<512x9xi32>
    %eq3A = vector.broadcast %get3A_1 : vector<512x1xi32> to vector<512x9xi32>
    %eq3A_2 = arith.cmpi eq, %eq3A, %iota3A : vector<512x9xi32>
    %convert_element_type3A = arith.extui %eq3A_2 : vector<512x9xi1> to vector<512x9xi32>
    %convert_element_type3A_3 = arith.sitofp %convert_element_type3A : vector<512x9xi32> to vector<512x9xf32>
    %get3A_4 = arith.constant 0 : index
    %get3A_5 = arith.constant 0 : index
    %get3A_6 = vector.load %arg3[%get3A_4, %get3A_5] : memref<9x16xf32, #tpu.memory_space<vmem>>, vector<9x16xf32>
    %dot_general3A = arith.constant dense<0.000000e+00> : vector<512x16xf32>
    %dot_general3A_7 = tpu.matmul %convert_element_type3A_3, %get3A_6, %dot_general3A {dimension_numbers = #tpu.dot_dimension_numbers<[1], [0], [0], [1], [0, 0, 1, 1], [], []>, transpose_lhs_hint = false} : vector<512x9xf32>, vector<9x16xf32>, vector<512x16xf32> -> vector<512x16xf32>
    %get3A_8 = arith.constant 0 : index
    %get3A_9 = arith.constant 0 : index
    %get3A_10 = vector.load %arg1[%get3A_8, %get3A_9] : memref<512x210xf32, #tpu.memory_space<vmem>>, vector<512x210xf32>
    %get3A_11 = arith.constant 0 : index
    %get3A_12 = arith.constant 0 : index
    %get3A_13 = vector.load %arg4[%get3A_11, %get3A_12] : memref<210x512xbf16, #tpu.memory_space<vmem>>, vector<210x512xbf16>
    %convert_element_type3A_14 = arith.truncf %get3A_10 : vector<512x210xf32> to vector<512x210xbf16>
    %dot_general3A_15 = arith.constant dense<0.000000e+00> : vector<512x512xf32>
    %dot_general3A_16 = tpu.matmul %convert_element_type3A_14, %get3A_13, %dot_general3A_15 {dimension_numbers = #tpu.dot_dimension_numbers<[1], [0], [0], [1], [0, 0, 1, 1], [], []>, transpose_lhs_hint = false} : vector<512x210xbf16>, vector<210x512xbf16>, vector<512x512xf32> -> vector<512x512xf32>
    %get3A_17 = arith.constant 0 : index
    %get3A_18 = arith.constant 0 : index
    %get3A_19 = vector.load %arg5[%get3A_17, %get3A_18] : memref<16x512xbf16, #tpu.memory_space<vmem>>, vector<16x512xbf16>
    %convert_element_type3A_20 = arith.truncf %dot_general3A_7 : vector<512x16xf32> to vector<512x16xbf16>
    %dot_general3A_21 = arith.constant dense<0.000000e+00> : vector<512x512xf32>
    %dot_general3A_22 = tpu.matmul %convert_element_type3A_20, %get3A_19, %dot_general3A_21 {dimension_numbers = #tpu.dot_dimension_numbers<[1], [0], [0], [1], [0, 0, 1, 1], [], []>, transpose_lhs_hint = false} : vector<512x16xbf16>, vector<16x512xbf16>, vector<512x512xf32> -> vector<512x512xf32>
    %add3A = arith.addf %dot_general3A_16, %dot_general3A_22 : vector<512x512xf32>
    %get3A_23 = arith.constant 0 : index
    %get3A_24 = vector.load %arg6[%get3A_23] : memref<512xf32, #tpu.memory_space<vmem>>, vector<512xf32>
    %broadcast_in_dim3A = vector.shape_cast %get3A_24 : vector<512xf32> to vector<1x512xf32>
    %add3A_25 = vector.broadcast %broadcast_in_dim3A : vector<1x512xf32> to vector<512x512xf32>
    %add3A_26 = arith.addf %add3A, %add3A_25 : vector<512x512xf32>
    %reduce_sum3A = arith.constant dense<0.000000e+00> : vector<512xf32>
    %reduce_sum3A_27 = vector.multi_reduction <add>, %add3A_26, %reduce_sum3A [1] : vector<512x512xf32> to vector<512xf32>
    %broadcast_in_dim3A_28 = vector.shape_cast %reduce_sum3A_27 : vector<512xf32> to vector<512x1xf32>
    %div3A = arith.constant 5.120000e+02 : f32
    %div3A_29 = vector.broadcast %div3A : f32 to vector<512x1xf32>
    %div3A_30 = arith.divf %broadcast_in_dim3A_28, %div3A_29 : vector<512x1xf32>
    %mul3A = arith.mulf %add3A_26, %add3A_26 : vector<512x512xf32>
    %reduce_sum3A_31 = arith.constant dense<0.000000e+00> : vector<512xf32>
    %reduce_sum3A_32 = vector.multi_reduction <add>, %mul3A, %reduce_sum3A_31 [1] : vector<512x512xf32> to vector<512xf32>
    %broadcast_in_dim3A_33 = vector.shape_cast %reduce_sum3A_32 : vector<512xf32> to vector<512x1xf32>
    %div3A_34 = arith.constant 5.120000e+02 : f32
    %div3A_35 = vector.broadcast %div3A_34 : f32 to vector<512x1xf32>
    %div3A_36 = arith.divf %broadcast_in_dim3A_33, %div3A_35 : vector<512x1xf32>
    %mul3A_37 = arith.mulf %div3A_30, %div3A_30 : vector<512x1xf32>
    %sub3A = arith.subf %div3A_36, %mul3A_37 : vector<512x1xf32>
    %sub3A_38 = vector.broadcast %div3A_30 : vector<512x1xf32> to vector<512x512xf32>
    %sub3A_39 = arith.subf %add3A_26, %sub3A_38 : vector<512x512xf32>
    %add3A_40 = arith.constant 9.99999974E-6 : f32
    %add3A_41 = vector.broadcast %add3A_40 : f32 to vector<512x1xf32>
    %add3A_42 = arith.addf %sub3A, %add3A_41 : vector<512x1xf32>
    %rsqrt3A = math.rsqrt %add3A_42 : vector<512x1xf32>
    %mul3A_43 = vector.broadcast %rsqrt3A : vector<512x1xf32> to vector<512x512xf32>
    %mul3A_44 = arith.mulf %sub3A_39, %mul3A_43 : vector<512x512xf32>
    %get3A_45 = arith.constant 0 : index
    %get3A_46 = vector.load %arg7[%get3A_45] : memref<512xf32, #tpu.memory_space<vmem>>, vector<512xf32>
    %broadcast_in_dim3A_47 = vector.shape_cast %get3A_46 : vector<512xf32> to vector<1x512xf32>
    %mul3A_48 = vector.broadcast %broadcast_in_dim3A_47 : vector<1x512xf32> to vector<512x512xf32>
    %mul3A_49 = arith.mulf %mul3A_44, %mul3A_48 : vector<512x512xf32>
    %get3A_50 = arith.constant 0 : index
    %get3A_51 = vector.load %arg8[%get3A_50] : memref<512xf32, #tpu.memory_space<vmem>>, vector<512xf32>
    %broadcast_in_dim3A_52 = vector.shape_cast %get3A_51 : vector<512xf32> to vector<1x512xf32>
    %add3A_53 = vector.broadcast %broadcast_in_dim3A_52 : vector<1x512xf32> to vector<512x512xf32>
    %add3A_54 = arith.addf %mul3A_49, %add3A_53 : vector<512x512xf32>
    %max3A = arith.constant 0.000000e+00 : f32
    %max3A_55 = vector.broadcast %max3A : f32 to vector<512x512xf32>
    %max3A_56 = arith.maximumf %add3A_54, %max3A_55 : vector<512x512xf32>
    %reduce_sum3A_57 = arith.constant dense<0.000000e+00> : vector<512xf32>
    %reduce_sum3A_58 = vector.multi_reduction <add>, %max3A_56, %reduce_sum3A_57 [1] : vector<512x512xf32> to vector<512xf32>
    %broadcast_in_dim3A_59 = vector.shape_cast %reduce_sum3A_58 : vector<512xf32> to vector<512x1xf32>
    %div3A_60 = arith.constant 5.120000e+02 : f32
    %div3A_61 = vector.broadcast %div3A_60 : f32 to vector<512x1xf32>
    %div3A_62 = arith.divf %broadcast_in_dim3A_59, %div3A_61 : vector<512x1xf32>
    %mul3A_63 = arith.mulf %max3A_56, %max3A_56 : vector<512x512xf32>
    %reduce_sum3A_64 = arith.constant dense<0.000000e+00> : vector<512xf32>
    %reduce_sum3A_65 = vector.multi_reduction <add>, %mul3A_63, %reduce_sum3A_64 [1] : vector<512x512xf32> to vector<512xf32>
    %broadcast_in_dim3A_66 = vector.shape_cast %reduce_sum3A_65 : vector<512xf32> to vector<512x1xf32>
    %div3A_67 = arith.constant 5.120000e+02 : f32
    %div3A_68 = vector.broadcast %div3A_67 : f32 to vector<512x1xf32>
    %div3A_69 = arith.divf %broadcast_in_dim3A_66, %div3A_68 : vector<512x1xf32>
    %mul3A_70 = arith.mulf %div3A_62, %div3A_62 : vector<512x1xf32>
    %sub3A_71 = arith.subf %div3A_69, %mul3A_70 : vector<512x1xf32>
    %sub3A_72 = vector.broadcast %div3A_62 : vector<512x1xf32> to vector<512x512xf32>
    %sub3A_73 = arith.subf %max3A_56, %sub3A_72 : vector<512x512xf32>
    %add3A_74 = arith.constant 9.99999974E-6 : f32
    %add3A_75 = vector.broadcast %add3A_74 : f32 to vector<512x1xf32>
    %add3A_76 = arith.addf %sub3A_71, %add3A_75 : vector<512x1xf32>
    %rsqrt3A_77 = math.rsqrt %add3A_76 : vector<512x1xf32>
    %mul3A_78 = vector.broadcast %rsqrt3A_77 : vector<512x1xf32> to vector<512x512xf32>
    %mul3A_79 = arith.mulf %sub3A_73, %mul3A_78 : vector<512x512xf32>
    %get3A_80 = arith.constant 0 : index
    %get3A_81 = arith.constant 0 : index
    %get3A_82 = arith.constant 0 : index
    %get3A_83 = vector.load %arg9[%get3A_80, %get3A_81, %get3A_82] : memref<3x512x512xbf16, #tpu.memory_space<vmem>>, vector<1x512x512xbf16>
    %get3A_84 = vector.shape_cast %get3A_83 : vector<1x512x512xbf16> to vector<512x512xbf16>
    %convert_element_type3A_85 = arith.truncf %mul3A_79 : vector<512x512xf32> to vector<512x512xbf16>
    %dot_general3A_86 = arith.constant dense<0.000000e+00> : vector<512x512xf32>
    %dot_general3A_87 = tpu.matmul %convert_element_type3A_85, %get3A_84, %dot_general3A_86 {dimension_numbers = #tpu.dot_dimension_numbers<[1], [0], [0], [1], [0, 0, 1, 1], [], []>, transpose_lhs_hint = false} : vector<512x512xbf16>, vector<512x512xbf16>, vector<512x512xf32> -> vector<512x512xf32>
    %get3A_88 = arith.constant 0 : index
    %get3A_89 = arith.constant 0 : index
    %get3A_90 = vector.load %arg10[%get3A_88, %get3A_89] : memref<3x512xf32, #tpu.memory_space<vmem>>, vector<1x512xf32>
    %get3A_91 = vector.shape_cast %get3A_90 : vector<1x512xf32> to vector<512xf32>
    %broadcast_in_dim3A_92 = vector.shape_cast %get3A_91 : vector<512xf32> to vector<1x512xf32>
    %add3A_93 = vector.broadcast %broadcast_in_dim3A_92 : vector<1x512xf32> to vector<512x512xf32>
    %add3A_94 = arith.addf %dot_general3A_87, %add3A_93 : vector<512x512xf32>
    %max3A_95 = arith.constant 0.000000e+00 : f32
    %max3A_96 = vector.broadcast %max3A_95 : f32 to vector<512x512xf32>
    %max3A_97 = arith.maximumf %add3A_94, %max3A_96 : vector<512x512xf32>
    %get3A_98 = arith.constant 0 : index
    %get3A_99 = arith.constant 0 : index
    %get3A_100 = arith.constant 0 : index
    %get3A_101 = vector.load %arg11[%get3A_98, %get3A_99, %get3A_100] : memref<3x512x512xbf16, #tpu.memory_space<vmem>>, vector<1x512x512xbf16>
    %get3A_102 = vector.shape_cast %get3A_101 : vector<1x512x512xbf16> to vector<512x512xbf16>
    %convert_element_type3A_103 = arith.truncf %max3A_97 : vector<512x512xf32> to vector<512x512xbf16>
    %dot_general3A_104 = arith.constant dense<0.000000e+00> : vector<512x512xf32>
    %dot_general3A_105 = tpu.matmul %convert_element_type3A_103, %get3A_102, %dot_general3A_104 {dimension_numbers = #tpu.dot_dimension_numbers<[1], [0], [0], [1], [0, 0, 1, 1], [], []>, transpose_lhs_hint = false} : vector<512x512xbf16>, vector<512x512xbf16>, vector<512x512xf32> -> vector<512x512xf32>
    %get3A_106 = arith.constant 0 : index
    %get3A_107 = arith.constant 0 : index
    %get3A_108 = vector.load %arg12[%get3A_106, %get3A_107] : memref<3x512xf32, #tpu.memory_space<vmem>>, vector<1x512xf32>
    %get3A_109 = vector.shape_cast %get3A_108 : vector<1x512xf32> to vector<512xf32>
    %broadcast_in_dim3A_110 = vector.shape_cast %get3A_109 : vector<512xf32> to vector<1x512xf32>
    %add3A_111 = vector.broadcast %broadcast_in_dim3A_110 : vector<1x512xf32> to vector<512x512xf32>
    %add3A_112 = arith.addf %dot_general3A_105, %add3A_111 : vector<512x512xf32>
    %max3A_113 = arith.constant 0.000000e+00 : f32
    %max3A_114 = vector.broadcast %max3A_113 : f32 to vector<512x512xf32>
    %max3A_115 = arith.maximumf %add3A_112, %max3A_114 : vector<512x512xf32>
    %add3A_116 = arith.addf %max3A_56, %max3A_115 : vector<512x512xf32>
    %reduce_sum3A_117 = arith.constant dense<0.000000e+00> : vector<512xf32>
    %reduce_sum3A_118 = vector.multi_reduction <add>, %add3A_116, %reduce_sum3A_117 [1] : vector<512x512xf32> to vector<512xf32>
    %broadcast_in_dim3A_119 = vector.shape_cast %reduce_sum3A_118 : vector<512xf32> to vector<512x1xf32>
    %div3A_120 = arith.constant 5.120000e+02 : f32
    %div3A_121 = vector.broadcast %div3A_120 : f32 to vector<512x1xf32>
    %div3A_122 = arith.divf %broadcast_in_dim3A_119, %div3A_121 : vector<512x1xf32>
    %mul3A_123 = arith.mulf %add3A_116, %add3A_116 : vector<512x512xf32>
    %reduce_sum3A_124 = arith.constant dense<0.000000e+00> : vector<512xf32>
    %reduce_sum3A_125 = vector.multi_reduction <add>, %mul3A_123, %reduce_sum3A_124 [1] : vector<512x512xf32> to vector<512xf32>
    %broadcast_in_dim3A_126 = vector.shape_cast %reduce_sum3A_125 : vector<512xf32> to vector<512x1xf32>
    %div3A_127 = arith.constant 5.120000e+02 : f32
    %div3A_128 = vector.broadcast %div3A_127 : f32 to vector<512x1xf32>
    %div3A_129 = arith.divf %broadcast_in_dim3A_126, %div3A_128 : vector<512x1xf32>
    %mul3A_130 = arith.mulf %div3A_122, %div3A_122 : vector<512x1xf32>
    %sub3A_131 = arith.subf %div3A_129, %mul3A_130 : vector<512x1xf32>
    %sub3A_132 = vector.broadcast %div3A_122 : vector<512x1xf32> to vector<512x512xf32>
    %sub3A_133 = arith.subf %add3A_116, %sub3A_132 : vector<512x512xf32>
    %add3A_134 = arith.constant 9.99999974E-6 : f32
    %add3A_135 = vector.broadcast %add3A_134 : f32 to vector<512x1xf32>
    %add3A_136 = arith.addf %sub3A_131, %add3A_135 : vector<512x1xf32>
    %rsqrt3A_137 = math.rsqrt %add3A_136 : vector<512x1xf32>
    %mul3A_138 = vector.broadcast %rsqrt3A_137 : vector<512x1xf32> to vector<512x512xf32>
    %mul3A_139 = arith.mulf %sub3A_133, %mul3A_138 : vector<512x512xf32>
    %get3A_140 = arith.constant 1 : index
    %get3A_141 = arith.constant 0 : index
    %get3A_142 = arith.constant 0 : index
    %get3A_143 = vector.load %arg9[%get3A_140, %get3A_141, %get3A_142] : memref<3x512x512xbf16, #tpu.memory_space<vmem>>, vector<1x512x512xbf16>
    %get3A_144 = vector.shape_cast %get3A_143 : vector<1x512x512xbf16> to vector<512x512xbf16>
    %convert_element_type3A_145 = arith.truncf %mul3A_139 : vector<512x512xf32> to vector<512x512xbf16>
    %dot_general3A_146 = arith.constant dense<0.000000e+00> : vector<512x512xf32>
    %dot_general3A_147 = tpu.matmul %convert_element_type3A_145, %get3A_144, %dot_general3A_146 {dimension_numbers = #tpu.dot_dimension_numbers<[1], [0], [0], [1], [0, 0, 1, 1], [], []>, transpose_lhs_hint = false} : vector<512x512xbf16>, vector<512x512xbf16>, vector<512x512xf32> -> vector<512x512xf32>
    %get3A_148 = arith.constant 1 : index
    %get3A_149 = arith.constant 0 : index
    %get3A_150 = vector.load %arg10[%get3A_148, %get3A_149] : memref<3x512xf32, #tpu.memory_space<vmem>>, vector<1x512xf32>
    %get3A_151 = vector.shape_cast %get3A_150 : vector<1x512xf32> to vector<512xf32>
    %broadcast_in_dim3A_152 = vector.shape_cast %get3A_151 : vector<512xf32> to vector<1x512xf32>
    %add3A_153 = vector.broadcast %broadcast_in_dim3A_152 : vector<1x512xf32> to vector<512x512xf32>
    %add3A_154 = arith.addf %dot_general3A_147, %add3A_153 : vector<512x512xf32>
    %max3A_155 = arith.constant 0.000000e+00 : f32
    %max3A_156 = vector.broadcast %max3A_155 : f32 to vector<512x512xf32>
    %max3A_157 = arith.maximumf %add3A_154, %max3A_156 : vector<512x512xf32>
    %get3A_158 = arith.constant 1 : index
    %get3A_159 = arith.constant 0 : index
    %get3A_160 = arith.constant 0 : index
    %get3A_161 = vector.load %arg11[%get3A_158, %get3A_159, %get3A_160] : memref<3x512x512xbf16, #tpu.memory_space<vmem>>, vector<1x512x512xbf16>
    %get3A_162 = vector.shape_cast %get3A_161 : vector<1x512x512xbf16> to vector<512x512xbf16>
    %convert_element_type3A_163 = arith.truncf %max3A_157 : vector<512x512xf32> to vector<512x512xbf16>
    %dot_general3A_164 = arith.constant dense<0.000000e+00> : vector<512x512xf32>
    %dot_general3A_165 = tpu.matmul %convert_element_type3A_163, %get3A_162, %dot_general3A_164 {dimension_numbers = #tpu.dot_dimension_numbers<[1], [0], [0], [1], [0, 0, 1, 1], [], []>, transpose_lhs_hint = false} : vector<512x512xbf16>, vector<512x512xbf16>, vector<512x512xf32> -> vector<512x512xf32>
    %get3A_166 = arith.constant 1 : index
    %get3A_167 = arith.constant 0 : index
    %get3A_168 = vector.load %arg12[%get3A_166, %get3A_167] : memref<3x512xf32, #tpu.memory_space<vmem>>, vector<1x512xf32>
    %get3A_169 = vector.shape_cast %get3A_168 : vector<1x512xf32> to vector<512xf32>
    %broadcast_in_dim3A_170 = vector.shape_cast %get3A_169 : vector<512xf32> to vector<1x512xf32>
    %add3A_171 = vector.broadcast %broadcast_in_dim3A_170 : vector<1x512xf32> to vector<512x512xf32>
    %add3A_172 = arith.addf %dot_general3A_165, %add3A_171 : vector<512x512xf32>
    %max3A_173 = arith.constant 0.000000e+00 : f32
    %max3A_174 = vector.broadcast %max3A_173 : f32 to vector<512x512xf32>
    %max3A_175 = arith.maximumf %add3A_172, %max3A_174 : vector<512x512xf32>
    %add3A_176 = arith.addf %add3A_116, %max3A_175 : vector<512x512xf32>
    %reduce_sum3A_177 = arith.constant dense<0.000000e+00> : vector<512xf32>
    %reduce_sum3A_178 = vector.multi_reduction <add>, %add3A_176, %reduce_sum3A_177 [1] : vector<512x512xf32> to vector<512xf32>
    %broadcast_in_dim3A_179 = vector.shape_cast %reduce_sum3A_178 : vector<512xf32> to vector<512x1xf32>
    %div3A_180 = arith.constant 5.120000e+02 : f32
    %div3A_181 = vector.broadcast %div3A_180 : f32 to vector<512x1xf32>
    %div3A_182 = arith.divf %broadcast_in_dim3A_179, %div3A_181 : vector<512x1xf32>
    %mul3A_183 = arith.mulf %add3A_176, %add3A_176 : vector<512x512xf32>
    %reduce_sum3A_184 = arith.constant dense<0.000000e+00> : vector<512xf32>
    %reduce_sum3A_185 = vector.multi_reduction <add>, %mul3A_183, %reduce_sum3A_184 [1] : vector<512x512xf32> to vector<512xf32>
    %broadcast_in_dim3A_186 = vector.shape_cast %reduce_sum3A_185 : vector<512xf32> to vector<512x1xf32>
    %div3A_187 = arith.constant 5.120000e+02 : f32
    %div3A_188 = vector.broadcast %div3A_187 : f32 to vector<512x1xf32>
    %div3A_189 = arith.divf %broadcast_in_dim3A_186, %div3A_188 : vector<512x1xf32>
    %mul3A_190 = arith.mulf %div3A_182, %div3A_182 : vector<512x1xf32>
    %sub3A_191 = arith.subf %div3A_189, %mul3A_190 : vector<512x1xf32>
    %sub3A_192 = vector.broadcast %div3A_182 : vector<512x1xf32> to vector<512x512xf32>
    %sub3A_193 = arith.subf %add3A_176, %sub3A_192 : vector<512x512xf32>
    %add3A_194 = arith.constant 9.99999974E-6 : f32
    %add3A_195 = vector.broadcast %add3A_194 : f32 to vector<512x1xf32>
    %add3A_196 = arith.addf %sub3A_191, %add3A_195 : vector<512x1xf32>
    %rsqrt3A_197 = math.rsqrt %add3A_196 : vector<512x1xf32>
    %mul3A_198 = vector.broadcast %rsqrt3A_197 : vector<512x1xf32> to vector<512x512xf32>
    %mul3A_199 = arith.mulf %sub3A_193, %mul3A_198 : vector<512x512xf32>
    %get3A_200 = arith.constant 2 : index
    %get3A_201 = arith.constant 0 : index
    %get3A_202 = arith.constant 0 : index
    %get3A_203 = vector.load %arg9[%get3A_200, %get3A_201, %get3A_202] : memref<3x512x512xbf16, #tpu.memory_space<vmem>>, vector<1x512x512xbf16>
    %get3A_204 = vector.shape_cast %get3A_203 : vector<1x512x512xbf16> to vector<512x512xbf16>
    %convert_element_type3A_205 = arith.truncf %mul3A_199 : vector<512x512xf32> to vector<512x512xbf16>
    %dot_general3A_206 = arith.constant dense<0.000000e+00> : vector<512x512xf32>
    %dot_general3A_207 = tpu.matmul %convert_element_type3A_205, %get3A_204, %dot_general3A_206 {dimension_numbers = #tpu.dot_dimension_numbers<[1], [0], [0], [1], [0, 0, 1, 1], [], []>, transpose_lhs_hint = false} : vector<512x512xbf16>, vector<512x512xbf16>, vector<512x512xf32> -> vector<512x512xf32>
    %get3A_208 = arith.constant 2 : index
    %get3A_209 = arith.constant 0 : index
    %get3A_210 = vector.load %arg10[%get3A_208, %get3A_209] : memref<3x512xf32, #tpu.memory_space<vmem>>, vector<1x512xf32>
    %get3A_211 = vector.shape_cast %get3A_210 : vector<1x512xf32> to vector<512xf32>
    %broadcast_in_dim3A_212 = vector.shape_cast %get3A_211 : vector<512xf32> to vector<1x512xf32>
    %add3A_213 = vector.broadcast %broadcast_in_dim3A_212 : vector<1x512xf32> to vector<512x512xf32>
    %add3A_214 = arith.addf %dot_general3A_207, %add3A_213 : vector<512x512xf32>
    %max3A_215 = arith.constant 0.000000e+00 : f32
    %max3A_216 = vector.broadcast %max3A_215 : f32 to vector<512x512xf32>
    %max3A_217 = arith.maximumf %add3A_214, %max3A_216 : vector<512x512xf32>
    %get3A_218 = arith.constant 2 : index
    %get3A_219 = arith.constant 0 : index
    %get3A_220 = arith.constant 0 : index
    %get3A_221 = vector.load %arg11[%get3A_218, %get3A_219, %get3A_220] : memref<3x512x512xbf16, #tpu.memory_space<vmem>>, vector<1x512x512xbf16>
    %get3A_222 = vector.shape_cast %get3A_221 : vector<1x512x512xbf16> to vector<512x512xbf16>
    %convert_element_type3A_223 = arith.truncf %max3A_217 : vector<512x512xf32> to vector<512x512xbf16>
    %dot_general3A_224 = arith.constant dense<0.000000e+00> : vector<512x512xf32>
    %dot_general3A_225 = tpu.matmul %convert_element_type3A_223, %get3A_222, %dot_general3A_224 {dimension_numbers = #tpu.dot_dimension_numbers<[1], [0], [0], [1], [0, 0, 1, 1], [], []>, transpose_lhs_hint = false} : vector<512x512xbf16>, vector<512x512xbf16>, vector<512x512xf32> -> vector<512x512xf32>
    %get3A_226 = arith.constant 2 : index
    %get3A_227 = arith.constant 0 : index
    %get3A_228 = vector.load %arg12[%get3A_226, %get3A_227] : memref<3x512xf32, #tpu.memory_space<vmem>>, vector<1x512xf32>
    %get3A_229 = vector.shape_cast %get3A_228 : vector<1x512xf32> to vector<512xf32>
    %broadcast_in_dim3A_230 = vector.shape_cast %get3A_229 : vector<512xf32> to vector<1x512xf32>
    %add3A_231 = vector.broadcast %broadcast_in_dim3A_230 : vector<1x512xf32> to vector<512x512xf32>
    %add3A_232 = arith.addf %dot_general3A_225, %add3A_231 : vector<512x512xf32>
    %max3A_233 = arith.constant 0.000000e+00 : f32
    %max3A_234 = vector.broadcast %max3A_233 : f32 to vector<512x512xf32>
    %max3A_235 = arith.maximumf %add3A_232, %max3A_234 : vector<512x512xf32>
    %add3A_236 = arith.addf %add3A_176, %max3A_235 : vector<512x512xf32>
    %reduce_sum3A_237 = arith.constant dense<0.000000e+00> : vector<512xf32>
    %reduce_sum3A_238 = vector.multi_reduction <add>, %add3A_236, %reduce_sum3A_237 [1] : vector<512x512xf32> to vector<512xf32>
    %broadcast_in_dim3A_239 = vector.shape_cast %reduce_sum3A_238 : vector<512xf32> to vector<512x1xf32>
    %div3A_240 = arith.constant 5.120000e+02 : f32
    %div3A_241 = vector.broadcast %div3A_240 : f32 to vector<512x1xf32>
    %div3A_242 = arith.divf %broadcast_in_dim3A_239, %div3A_241 : vector<512x1xf32>
    %mul3A_243 = arith.mulf %add3A_236, %add3A_236 : vector<512x512xf32>
    %reduce_sum3A_244 = arith.constant dense<0.000000e+00> : vector<512xf32>
    %reduce_sum3A_245 = vector.multi_reduction <add>, %mul3A_243, %reduce_sum3A_244 [1] : vector<512x512xf32> to vector<512xf32>
    %broadcast_in_dim3A_246 = vector.shape_cast %reduce_sum3A_245 : vector<512xf32> to vector<512x1xf32>
    %div3A_247 = arith.constant 5.120000e+02 : f32
    %div3A_248 = vector.broadcast %div3A_247 : f32 to vector<512x1xf32>
    %div3A_249 = arith.divf %broadcast_in_dim3A_246, %div3A_248 : vector<512x1xf32>
    %mul3A_250 = arith.mulf %div3A_242, %div3A_242 : vector<512x1xf32>
    %sub3A_251 = arith.subf %div3A_249, %mul3A_250 : vector<512x1xf32>
    %sub3A_252 = vector.broadcast %div3A_242 : vector<512x1xf32> to vector<512x512xf32>
    %sub3A_253 = arith.subf %add3A_236, %sub3A_252 : vector<512x512xf32>
    %add3A_254 = arith.constant 9.99999974E-6 : f32
    %add3A_255 = vector.broadcast %add3A_254 : f32 to vector<512x1xf32>
    %add3A_256 = arith.addf %sub3A_251, %add3A_255 : vector<512x1xf32>
    %rsqrt3A_257 = math.rsqrt %add3A_256 : vector<512x1xf32>
    %mul3A_258 = vector.broadcast %rsqrt3A_257 : vector<512x1xf32> to vector<512x512xf32>
    %mul3A_259 = arith.mulf %sub3A_253, %mul3A_258 : vector<512x512xf32>
    %convert_element_type3A_260 = arith.truncf %mul3A_259 : vector<512x512xf32> to vector<512x512xbf16>
    %swap3A = arith.constant 0 : index
    %swap3A_261 = arith.constant 0 : index
    %swap3A_262 = vector.load %arg17[%swap3A, %swap3A_261] : memref<512x512xbf16, #tpu.memory_space<vmem>>, vector<512x512xbf16>
    tpu.vector_store %arg17[%swap3A, %swap3A_261], %convert_element_type3A_260 {strides = array<i32>} : memref<512x512xbf16, #tpu.memory_space<vmem>>, vector<512x512xbf16>,
    %get3A_263 = arith.constant 0 : index
    %get3A_264 = arith.constant 0 : index
    %get3A_265 = vector.load %arg13[%get3A_263, %get3A_264] : memref<512x512xbf16, #tpu.memory_space<vmem>>, vector<512x512xbf16>
    %dot_general3A_266 = arith.constant dense<0.000000e+00> : vector<512x512xf32>
    %dot_general3A_267 = tpu.matmul %convert_element_type3A_260, %get3A_265, %dot_general3A_266 {dimension_numbers = #tpu.dot_dimension_numbers<[1], [0], [0], [1], [0, 0, 1, 1], [], []>, transpose_lhs_hint = false} : vector<512x512xbf16>, vector<512x512xbf16>, vector<512x512xf32> -> vector<512x512xf32>
    %get3A_268 = arith.constant 0 : index
    %get3A_269 = vector.load %arg14[%get3A_268] : memref<512xf32, #tpu.memory_space<vmem>>, vector<512xf32>
    %broadcast_in_dim3A_270 = vector.shape_cast %get3A_269 : vector<512xf32> to vector<1x512xf32>
    %add3A_271 = vector.broadcast %broadcast_in_dim3A_270 : vector<1x512xf32> to vector<512x512xf32>
    %add3A_272 = arith.addf %dot_general3A_267, %add3A_271 : vector<512x512xf32>
    %max3A_273 = arith.constant 0.000000e+00 : f32
    %max3A_274 = vector.broadcast %max3A_273 : f32 to vector<512x512xf32>
    %max3A_275 = arith.maximumf %add3A_272, %max3A_274 : vector<512x512xf32>
    %get3A_276 = arith.constant 0 : index
    %get3A_277 = arith.constant 0 : index
    %get3A_278 = vector.load %arg15[%get3A_276, %get3A_277] : memref<512x1xbf16, #tpu.memory_space<vmem>>, vector<512x1xbf16>
    %convert_element_type3A_279 = arith.truncf %max3A_275 : vector<512x512xf32> to vector<512x512xbf16>
    %dot_general3A_280 = arith.constant dense<0.000000e+00> : vector<512x1xf32>
    %dot_general3A_281 = tpu.matmul %convert_element_type3A_279, %get3A_278, %dot_general3A_280 {dimension_numbers = #tpu.dot_dimension_numbers<[1], [0], [0], [1], [0, 0, 1, 1], [], []>, transpose_lhs_hint = false} : vector<512x512xbf16>, vector<512x1xbf16>, vector<512x1xf32> -> vector<512x1xf32>
    %get3A_282 = arith.constant 0 : index
    %get3A_283 = vector.load %arg16[%get3A_282] : memref<1xf32, #tpu.memory_space<vmem>>, vector<1xf32>
    %broadcast_in_dim3A_284 = vector.shape_cast %get3A_283 : vector<1xf32> to vector<1x1xf32>
    %add3A_285 = vector.broadcast %broadcast_in_dim3A_284 : vector<1x1xf32> to vector<512x1xf32>
    %add3A_286 = arith.addf %dot_general3A_281, %add3A_285 : vector<512x1xf32>
    %swap3A_287 = arith.constant 0 : index
    %swap3A_288 = arith.constant 0 : index
    %swap3A_289 = vector.load %arg18[%swap3A_287, %swap3A_288] : memref<512x1xf32, #tpu.memory_space<vmem>>, vector<512x1xf32>
    tpu.vector_store %arg18[%swap3A_287, %swap3A_288], %add3A_286 {strides = array<i32>} : memref<512x1xf32, #tpu.memory_space<vmem>>, vector<512x1xf32>,
    return
  }
  func.func @transform_0(%arg0: i32) -> (i32, i32) {
    %c0_i32 = arith.constant 0 : i32
    %c0_i32_0 = arith.constant 0 : i32
    return %arg0, %c0_i32 : i32, i32
  }
  func.func @transform_1(%arg0: i32) -> (i32, i32) {
    %c0_i32 = arith.constant 0 : i32
    %c0_i32_0 = arith.constant 0 : i32
    return %arg0, %c0_i32 : i32, i32
  }
  func.func @transform_2(%arg0: i32) -> (i32, i32) {
    %c0_i32 = arith.constant 0 : i32
    %c0_i32_0 = arith.constant 0 : i32
    %c0_i32_1 = arith.constant 0 : i32
    return %c0_i32, %c0_i32_0 : i32, i32
  }
  func.func @transform_3(%arg0: i32) -> (i32, i32) {
    %c0_i32 = arith.constant 0 : i32
    %c0_i32_0 = arith.constant 0 : i32
    %c0_i32_1 = arith.constant 0 : i32
    return %c0_i32, %c0_i32_0 : i32, i32
  }
  func.func @transform_4(%arg0: i32) -> (i32, i32) {
    %c0_i32 = arith.constant 0 : i32
    %c0_i32_0 = arith.constant 0 : i32
    %c0_i32_1 = arith.constant 0 : i32
    return %c0_i32, %c0_i32_0 : i32, i32
  }
  func.func @transform_5(%arg0: i32) -> i32 {
    %c0_i32 = arith.constant 0 : i32
    %c0_i32_0 = arith.constant 0 : i32
    return %c0_i32 : i32
  }
  func.func @transform_6(%arg0: i32) -> i32 {
    %c0_i32 = arith.constant 0 : i32
    %c0_i32_0 = arith.constant 0 : i32
    return %c0_i32 : i32
  }
  func.func @transform_7(%arg0: i32) -> i32 {
    %c0_i32 = arith.constant 0 : i32
    %c0_i32_0 = arith.constant 0 : i32
    return %c0_i32 : i32
  }
  func.func @transform_8(%arg0: i32) -> (i32, i32, i32) {
    %c0_i32 = arith.constant 0 : i32
    %c0_i32_0 = arith.constant 0 : i32
    %c0_i32_1 = arith.constant 0 : i32
    %c0_i32_2 = arith.constant 0 : i32
    return %c0_i32, %c0_i32_0, %c0_i32_1 : i32, i32, i32
  }
  func.func @transform_9(%arg0: i32) -> (i32, i32) {
    %c0_i32 = arith.constant 0 : i32
    %c0_i32_0 = arith.constant 0 : i32
    %c0_i32_1 = arith.constant 0 : i32
    return %c0_i32, %c0_i32_0 : i32, i32
  }
  func.func @transform_10(%arg0: i32) -> (i32, i32, i32) {
    %c0_i32 = arith.constant 0 : i32
    %c0_i32_0 = arith.constant 0 : i32
    %c0_i32_1 = arith.constant 0 : i32
    %c0_i32_2 = arith.constant 0 : i32
    return %c0_i32, %c0_i32_0, %c0_i32_1 : i32, i32, i32
  }
  func.func @transform_11(%arg0: i32) -> (i32, i32) {
    %c0_i32 = arith.constant 0 : i32
    %c0_i32_0 = arith.constant 0 : i32
    %c0_i32_1 = arith.constant 0 : i32
    return %c0_i32, %c0_i32_0 : i32, i32
  }
  func.func @transform_12(%arg0: i32) -> (i32, i32) {
    %c0_i32 = arith.constant 0 : i32
    %c0_i32_0 = arith.constant 0 : i32
    %c0_i32_1 = arith.constant 0 : i32
    return %c0_i32, %c0_i32_0 : i32, i32
  }
  func.func @transform_13(%arg0: i32) -> i32 {
    %c0_i32 = arith.constant 0 : i32
    %c0_i32_0 = arith.constant 0 : i32
    return %c0_i32 : i32
  }
  func.func @transform_14(%arg0: i32) -> (i32, i32) {
    %c0_i32 = arith.constant 0 : i32
    %c0_i32_0 = arith.constant 0 : i32
    %c0_i32_1 = arith.constant 0 : i32
    return %c0_i32, %c0_i32_0 : i32, i32
  }
  func.func @transform_15(%arg0: i32) -> i32 {
    %c0_i32 = arith.constant 0 : i32
    %c0_i32_0 = arith.constant 0 : i32
    return %c0_i32 : i32
  }
  func.func @transform_16(%arg0: i32) -> (i32, i32) {
    %c0_i32 = arith.constant 0 : i32
    %c0_i32_0 = arith.constant 0 : i32
    return %arg0, %c0_i32 : i32, i32
  }
  func.func @transform_17(%arg0: i32) -> (i32, i32) {
    %c0_i32 = arith.constant 0 : i32
    %c0_i32_0 = arith.constant 0 : i32
    return %arg0, %c0_i32 : i32, i32
  }
}

module attributes {stable_mosaic.version = 14 : i64} {
  func.func @_heads_body(%arg0: i32, %arg1: memref<72xi32, #tpu.memory_space<smem>>, %arg2: memref<256x512xbf16, #tpu.memory_space<vmem>>, %arg3: memref<256x256xbf16, #tpu.memory_space<vmem>>, %arg4: memref<256x1xi32, #tpu.memory_space<vmem>>, %arg5: memref<1x512x512xbf16, #tpu.memory_space<vmem>>, %arg6: memref<1x1x512xf32, #tpu.memory_space<vmem>>, %arg7: memref<1x512x200xbf16, #tpu.memory_space<vmem>>, %arg8: memref<1x1x200xf32, #tpu.memory_space<vmem>>, %arg9: memref<256x1xf32, #tpu.memory_space<vmem>>, %arg10: memref<256x1xf32, #tpu.memory_space<vmem>>) attributes {dimension_semantics = [#tpu.dimension_semantics<arbitrary>], iteration_bounds = array<i64: 72>, scalar_prefetch = 1 : i64, scratch_operands = 0 : i64, tpu.core_type = #tpu.core_type<tc>, window_params = [{transform_indices = @transform_0, window_bounds = array<i64: 256, 512>}, {transform_indices = @transform_1, window_bounds = array<i64: 256, 256>}, {transform_indices = @transform_2, window_bounds = array<i64: 256, 1>}, {transform_indices = @transform_3, window_bounds = array<i64: 1, 512, 512>}, {transform_indices = @transform_4, window_bounds = array<i64: 1, 1, 512>}, {transform_indices = @transform_5, window_bounds = array<i64: 1, 512, 200>}, {transform_indices = @transform_6, window_bounds = array<i64: 1, 1, 200>}, {transform_indices = @transform_7, window_bounds = array<i64: 256, 1>}, {transform_indices = @transform_8, window_bounds = array<i64: 256, 1>}]} {
    %get3A = arith.constant 0 : index
    %get3A_0 = arith.constant 0 : index
    %get3A_1 = vector.load %arg2[%get3A, %get3A_0] : memref<256x512xbf16, #tpu.memory_space<vmem>>, vector<256x512xbf16>
    %get3A_2 = arith.constant 0 : index
    %get3A_3 = arith.constant 0 : index
    %get3A_4 = arith.constant 0 : index
    %get3A_5 = vector.load %arg5[%get3A_2, %get3A_3, %get3A_4] : memref<1x512x512xbf16, #tpu.memory_space<vmem>>, vector<1x512x512xbf16>
    %get3A_6 = vector.shape_cast %get3A_5 : vector<1x512x512xbf16> to vector<512x512xbf16>
    %dot_general3A = arith.constant dense<0.000000e+00> : vector<256x512xf32>
    %dot_general3A_7 = tpu.matmul %get3A_1, %get3A_6, %dot_general3A {dimension_numbers = #tpu.dot_dimension_numbers<[1], [0], [0], [1], [0, 0, 1, 1], [], []>, transpose_lhs_hint = false} : vector<256x512xbf16>, vector<512x512xbf16>, vector<256x512xf32> -> vector<256x512xf32>
    %get3A_8 = arith.constant 0 : index
    %get3A_9 = arith.constant 0 : index
    %get3A_10 = arith.constant 0 : index
    %get3A_11 = vector.load %arg6[%get3A_8, %get3A_9, %get3A_10] : memref<1x1x512xf32, #tpu.memory_space<vmem>>, vector<1x1x512xf32>
    %get3A_12 = vector.shape_cast %get3A_11 : vector<1x1x512xf32> to vector<1x512xf32>
    %add3A = vector.broadcast %get3A_12 : vector<1x512xf32> to vector<256x512xf32>
    %add3A_13 = arith.addf %dot_general3A_7, %add3A : vector<256x512xf32>
    %max3A = arith.constant 0.000000e+00 : f32
    %max3A_14 = vector.broadcast %max3A : f32 to vector<256x512xf32>
    %max3A_15 = arith.maximumf %add3A_13, %max3A_14 : vector<256x512xf32>
    %convert_element_type3A = arith.truncf %max3A_15 : vector<256x512xf32> to vector<256x512xbf16>
    %get3A_16 = arith.constant 0 : index
    %get3A_17 = arith.constant 0 : index
    %get3A_18 = arith.constant 0 : index
    %get3A_19 = vector.load %arg7[%get3A_16, %get3A_17, %get3A_18] : memref<1x512x200xbf16, #tpu.memory_space<vmem>>, vector<1x512x200xbf16>
    %get3A_20 = vector.shape_cast %get3A_19 : vector<1x512x200xbf16> to vector<512x200xbf16>
    %dot_general3A_21 = arith.constant dense<0.000000e+00> : vector<256x200xf32>
    %dot_general3A_22 = tpu.matmul %convert_element_type3A, %get3A_20, %dot_general3A_21 {dimension_numbers = #tpu.dot_dimension_numbers<[1], [0], [0], [1], [0, 0, 1, 1], [], []>, transpose_lhs_hint = false} : vector<256x512xbf16>, vector<512x200xbf16>, vector<256x200xf32> -> vector<256x200xf32>
    %get3A_23 = arith.constant 0 : index
    %get3A_24 = arith.constant 0 : index
    %get3A_25 = arith.constant 0 : index
    %get3A_26 = vector.load %arg8[%get3A_23, %get3A_24, %get3A_25] : memref<1x1x200xf32, #tpu.memory_space<vmem>>, vector<1x1x200xf32>
    %get3A_27 = vector.shape_cast %get3A_26 : vector<1x1x200xf32> to vector<1x200xf32>
    %add3A_28 = vector.broadcast %get3A_27 : vector<1x200xf32> to vector<256x200xf32>
    %add3A_29 = arith.addf %dot_general3A_22, %add3A_28 : vector<256x200xf32>
    %get3A_30 = arith.constant 0 : index
    %get3A_31 = arith.constant 0 : index
    %get3A_32 = vector.load %arg3[%get3A_30, %get3A_31] : memref<256x256xbf16, #tpu.memory_space<vmem>>, vector<256x256xbf16>
    %slice3A = vector.extract_strided_slice %get3A_32 {offsets = [0, 0], sizes = [256, 200], strides = [1, 1]} : vector<256x256xbf16> to vector<256x200xbf16>
    %gt3A = arith.constant 5.000000e-01 : bf16
    %gt3A_33 = vector.broadcast %gt3A : bf16 to vector<256x200xbf16>
    %gt3A_34 = arith.cmpf ogt, %slice3A, %gt3A_33 : vector<256x200xbf16>
    %jit3A = arith.constant -1.000000e+08 : f32
    %broadcast_in_dim3A = vector.broadcast %jit3A : f32 to vector<256x200xf32>
    %select_n3A = arith.select %gt3A_34, %add3A_29, %broadcast_in_dim3A : vector<256x200xi1>, vector<256x200xf32>
    %reduce_max3A = arith.constant dense<0xFF800000> : vector<256xf32>
    %reduce_max3A_35 = vector.multi_reduction <maximumf>, %select_n3A, %reduce_max3A [1] : vector<256x200xf32> to vector<256xf32>
    %broadcast_in_dim3A_36 = vector.shape_cast %reduce_max3A_35 : vector<256xf32> to vector<256x1xf32>
    %sub3A = vector.broadcast %broadcast_in_dim3A_36 : vector<256x1xf32> to vector<256x200xf32>
    %sub3A_37 = arith.subf %select_n3A, %sub3A : vector<256x200xf32>
    %exp3A = math.exp %sub3A_37 : vector<256x200xf32>
    %reduce_sum3A = arith.constant dense<0.000000e+00> : vector<256xf32>
    %reduce_sum3A_38 = vector.multi_reduction <add>, %exp3A, %reduce_sum3A [1] : vector<256x200xf32> to vector<256xf32>
    %broadcast_in_dim3A_39 = vector.shape_cast %reduce_sum3A_38 : vector<256xf32> to vector<256x1xf32>
    %log3A = math.log %broadcast_in_dim3A_39 : vector<256x1xf32>
    %sub3A_40 = vector.broadcast %log3A : vector<256x1xf32> to vector<256x200xf32>
    %sub3A_41 = arith.subf %sub3A_37, %sub3A_40 : vector<256x200xf32>
    %get3A_42 = arith.constant 0 : index
    %get3A_43 = arith.constant 0 : index
    %get3A_44 = vector.load %arg4[%get3A_42, %get3A_43] : memref<256x1xi32, #tpu.memory_space<vmem>>, vector<256x1xi32>
    %iota3A = tpu.iota {dimensions = array<i32: 1>} : vector<256x200xi32>
    %eq3A = vector.broadcast %get3A_44 : vector<256x1xi32> to vector<256x200xi32>
    %eq3A_45 = arith.cmpi eq, %eq3A, %iota3A : vector<256x200xi32>
    %convert_element_type3A_46 = arith.extui %eq3A_45 : vector<256x200xi1> to vector<256x200xi32>
    %convert_element_type3A_47 = arith.sitofp %convert_element_type3A_46 : vector<256x200xi32> to vector<256x200xf32>
    %mul3A = arith.mulf %sub3A_41, %convert_element_type3A_47 : vector<256x200xf32>
    %reduce_sum3A_48 = arith.constant dense<0.000000e+00> : vector<256xf32>
    %reduce_sum3A_49 = vector.multi_reduction <add>, %mul3A, %reduce_sum3A_48 [1] : vector<256x200xf32> to vector<256xf32>
    %broadcast_in_dim3A_50 = vector.shape_cast %reduce_sum3A_49 : vector<256xf32> to vector<256x1xf32>
    %swap3A = arith.constant 0 : index
    %swap3A_51 = arith.constant 0 : index
    %swap3A_52 = vector.load %arg9[%swap3A, %swap3A_51] : memref<256x1xf32, #tpu.memory_space<vmem>>, vector<256x1xf32>
    tpu.vector_store %arg9[%swap3A, %swap3A_51], %broadcast_in_dim3A_50 {strides = array<i32>} : memref<256x1xf32, #tpu.memory_space<vmem>>, vector<256x1xf32>,
    %div3A = vector.broadcast %broadcast_in_dim3A_39 : vector<256x1xf32> to vector<256x200xf32>
    %div3A_53 = arith.divf %exp3A, %div3A : vector<256x200xf32>
    %mul3A_54 = arith.mulf %div3A_53, %sub3A_41 : vector<256x200xf32>
    %reduce_sum3A_55 = arith.constant dense<0.000000e+00> : vector<256xf32>
    %reduce_sum3A_56 = vector.multi_reduction <add>, %mul3A_54, %reduce_sum3A_55 [1] : vector<256x200xf32> to vector<256xf32>
    %broadcast_in_dim3A_57 = vector.shape_cast %reduce_sum3A_56 : vector<256xf32> to vector<256x1xf32>
    %neg3A = arith.constant 0.000000e+00 : f32
    %neg3A_58 = vector.broadcast %neg3A : f32 to vector<256x1xf32>
    %neg3A_59 = arith.subf %neg3A_58, %broadcast_in_dim3A_57 : vector<256x1xf32>
    %swap3A_60 = arith.constant 0 : index
    %swap3A_61 = arith.constant 0 : index
    %swap3A_62 = vector.load %arg10[%swap3A_60, %swap3A_61] : memref<256x1xf32, #tpu.memory_space<vmem>>, vector<256x1xf32>
    tpu.vector_store %arg10[%swap3A_60, %swap3A_61], %neg3A_59 {strides = array<i32>} : memref<256x1xf32, #tpu.memory_space<vmem>>, vector<256x1xf32>,
    return
  }
  func.func @transform_0(%arg0: i32, %arg1: memref<72xi32, #tpu.memory_space<smem>>) -> (i32, i32) {
    %c0_i32 = arith.constant 0 : i32
    %c0_i32_0 = arith.constant 0 : i32
    return %arg0, %c0_i32 : i32, i32
  }
  func.func @transform_1(%arg0: i32, %arg1: memref<72xi32, #tpu.memory_space<smem>>) -> (i32, i32) {
    %c0_i32 = arith.constant 0 : i32
    %c0_i32_0 = arith.constant 0 : i32
    return %arg0, %c0_i32 : i32, i32
  }
  func.func @transform_2(%arg0: i32, %arg1: memref<72xi32, #tpu.memory_space<smem>>) -> (i32, i32) {
    %c0_i32 = arith.constant 0 : i32
    %c0_i32_0 = arith.constant 0 : i32
    return %arg0, %c0_i32 : i32, i32
  }
  func.func @transform_3(%arg0: i32, %arg1: memref<72xi32, #tpu.memory_space<smem>>) -> (i32, i32, i32) {
    %get3A = arith.index_cast %arg0 : i32 to index
    %get3A_0 = memref.load %arg1[%get3A] : memref<72xi32, #tpu.memory_space<smem>>
    %c0_i32 = arith.constant 0 : i32
    %c0_i32_1 = arith.constant 0 : i32
    %c0_i32_2 = arith.constant 0 : i32
    return %get3A_0, %c0_i32, %c0_i32_1 : i32, i32, i32
  }
  func.func @transform_4(%arg0: i32, %arg1: memref<72xi32, #tpu.memory_space<smem>>) -> (i32, i32, i32) {
    %get3A = arith.index_cast %arg0 : i32 to index
    %get3A_0 = memref.load %arg1[%get3A] : memref<72xi32, #tpu.memory_space<smem>>
    %c0_i32 = arith.constant 0 : i32
    %c0_i32_1 = arith.constant 0 : i32
    %c0_i32_2 = arith.constant 0 : i32
    return %get3A_0, %c0_i32, %c0_i32_1 : i32, i32, i32
  }
  func.func @transform_5(%arg0: i32, %arg1: memref<72xi32, #tpu.memory_space<smem>>) -> (i32, i32, i32) {
    %get3A = arith.index_cast %arg0 : i32 to index
    %get3A_0 = memref.load %arg1[%get3A] : memref<72xi32, #tpu.memory_space<smem>>
    %c0_i32 = arith.constant 0 : i32
    %c0_i32_1 = arith.constant 0 : i32
    %c0_i32_2 = arith.constant 0 : i32
    return %get3A_0, %c0_i32, %c0_i32_1 : i32, i32, i32
  }
  func.func @transform_6(%arg0: i32, %arg1: memref<72xi32, #tpu.memory_space<smem>>) -> (i32, i32, i32) {
    %get3A = arith.index_cast %arg0 : i32 to index
    %get3A_0 = memref.load %arg1[%get3A] : memref<72xi32, #tpu.memory_space<smem>>
    %c0_i32 = arith.constant 0 : i32
    %c0_i32_1 = arith.constant 0 : i32
    %c0_i32_2 = arith.constant 0 : i32
    return %get3A_0, %c0_i32, %c0_i32_1 : i32, i32, i32
  }
  func.func @transform_7(%arg0: i32, %arg1: memref<72xi32, #tpu.memory_space<smem>>) -> (i32, i32) {
    %c0_i32 = arith.constant 0 : i32
    %c0_i32_0 = arith.constant 0 : i32
    return %arg0, %c0_i32 : i32, i32
  }
  func.func @transform_8(%arg0: i32, %arg1: memref<72xi32, #tpu.memory_space<smem>>) -> (i32, i32) {
    %c0_i32 = arith.constant 0 : i32
    %c0_i32_0 = arith.constant 0 : i32
    return %arg0, %c0_i32 : i32, i32
  }
}

</mosaic_0001>

<sc_bundles>
// kernel: _run.5.cloned.1.call-start
scs
__scs_entry_jumppad:
0x0: {  	(pc) =	sbr.rel $0x88, $3  }
0x1: {  	(tag) =	ssettag $0x0;
	lr =	simm.s32 $0x1  }
0x2: {  	[smem:$0x3F56] =	sst lr;
	_ =	strace $0xD0000000  }
0x3: {  	_ = 	snop  }
0x4: {  	_ = 	snop  }
0x5: {  	_ = 	snop  }
0x6: {  	_ = 	snop  }
0x7: {  	_ = 	snop  }
__scs_overlays_trampoline_lowered:
0x8: {  	[smem:$0x3F65] =	sst s0  }
0x9: {  	[smem:$0x3F66] =	sst s1  }
0xa: {  	[smem:$0x3F67] =	sst s2  }
0xb: {  	[smem:$0x3F68] =	sst s3  }
0xc: {  	[smem:$0x3F69] =	sst s4  }
0xd: {  	[smem:$0x3F6A] =	sst s5  }
0xe: {  	[smem:$0x3F6B] =	sst s6  }
0xf: {  	[smem:$0x3F6C] =	sst s7  }
0x10: {  	[smem:$0x3F6D] =	sst s8  }
0x11: {  	[smem:$0x3F6E] =	sst s9;
	s0 =	simm.s32 @!p0 $0x0  }
0x12: {  	s1 =	sld [smem:$0x3F54];
	s0 =	simm.s32 @p0 $0x1  }
0x13: {  	[smem:$0x3F6F] =	sst s0;
	s0 =	simm.s32 @!p1 $0x0  }
0x14: {  	s2 =	sld [smem:$0x3F53];
	s0 =	simm.s32 @p1 $0x1  }
0x15: {  	[smem:$0x3F70] =	sst s0;
	s0 =	simm.s32 @!p2 $0x0  }
0x16: {  	s3 =	sld [smem:$0x3FDB];
	s0 =	simm.s32 @p2 $0x1  }
0x17: {  	s4 =	simm.s32 $0x1BF5;
	[smem:$0x3F72] =	sst s0  }
0x18: {  	s0 =	sld [smem:$0x3F55];
	_ =	swait.ge [sflag:s4], $0x0  }
0x19: {  	s7 =	sld [smem:$0x3F56]  }
0x1a: {  	s8 =	sadd.s32 $0xFFFFE003, lr  }
0x1b: {  	s9 =	sadd.s32 $0xFFFFFEF7, lr;
	s5 =	simm.s32 $0xFFFFFFFF;
	p2 =	slt.u32 s8, $0xFFFFF086  }
0x1c: {  	p1 =	slt.u32 s9, $0xF7A;
	s5 =	simm.s32 @!p2 $0x0  }
0x1d: {  	s5 =	simm.s32 @p1 $0x1;
	p0 =	seq.s32 s7, s2  }
0x1e: {  	s7 =	smul.u32 @!p0 $0xF7A, s2;
	p2 =	seq.s32 @!p0 s5, $0x0  }
0x1f: {  	s9 =	smul.u32 $0xF7A, s1;
	s8 =	simm.s32 @!p0 $0x1BF5;
	p2 =	por !p2, p0  }
0x20: {  	[sflag:s8] =	ssyncset.s32 @!p0 $0xFFFFF086;
	s6 =	sadd.s32 @!p0 s3, s7;
	s7 =	simm.s32 @!p0 $0x108  }
0x21: {  	s3 =	sadd.s32 s3, s9;
	s6 =	sadd.s32 @!p0 $0x88, s6;
	s7 =	simm.s32 @p2 $0x1082  }
0x22: {  	[simem:s7], [sflag:s8] =	dma.local @!p0 [hbm:s6], $0xF7A  }
0x23: {  	s9 =	sor.u32 $0xD0000000, s2;
	s6 =	simm.s32 $0x108;
	_ =	swait.ge @!p0 [sflag:s8], $0x0  }
0x24: {  	s3 =	sadd.s32 $0x88, s3;
	s6 =	simm.s32 @!p1 $0x1082;
	[sflag:s4] =	ssyncset.s32 $0xFFFFF086  }
0x25: {  	[simem:s6], [sflag:s4] =	dma.local [hbm:s3], $0xF7A  }
0x26: {  	[smem:$0x3F56] =	sst s1;
	(tag) =	ssettag s2;
	_ =	strace s9  }
0x27: {  	s1 =	sld [smem:$0x3F66]  }
0x28: {  	s2 =	sld [smem:$0x3F67]  }
0x29: {  	s4 =	sld [smem:$0x3F69]  }
0x2a: {  	p0 =	seq.s32 s5, $0x0;
	s5 =	sld [smem:$0x3F6A]  }
0x2b: {  	s6 =	sld [smem:$0x3F6B]  }
0x2c: {  	s7 =	sld [smem:$0x3F6C]  }
0x2d: {  	s3 =	simm.s32 $0x108;
	s8 =	sld [smem:$0x3F6D]  }
0x2e: {  	s3 =	simm.s32 @!p0 $0x1082;
	s9 =	sld [smem:$0x3F6E]  }
0x2f: {  	lr =	sadd.s32 s0, s3;
	s0 =	sld [smem:$0x3F65]  }
0x30: {  	s3 =	sld [smem:$0x3F68]  }
0x31: {  	[smem:$0x3F71] =	sst s10  }
0x32: {  	s10 =	sld [smem:$0x3F6F];
	_ =	sdelay $0x3  }
0x33: {  	p0 =	seq.s32 s10, $0x1;
	s10 =	sld [smem:$0x3F71];
	_ =	sdelay $0x3  }
0x34: {  	[smem:$0x3F71] =	sst s10  }
0x35: {  	s10 =	sld [smem:$0x3F70];
	_ =	sdelay $0x3  }
0x36: {  	p1 =	seq.s32 s10, $0x1;
	s10 =	sld [smem:$0x3F71];
	_ =	sdelay $0x3  }
0x37: {  	[smem:$0x3F71] =	sst s10  }
0x38: {  	s10 =	sld [smem:$0x3F72]  }
0x39: {  	_ = 	snop;
	(pc) =	sbr.ind lr, $3  }
0x3a: {  	_ = 	snop  }
0x3b: {  	_ = 	snop  }
0x3c: {  	p2 =	seq.s32 s10, $0x1;
	s10 =	sld [smem:$0x3F71]  }
0x3d: {  	_ =	shalt  }
0x3e: {  	_ =	shalt  }
0x3f: {  	_ =	shalt  }
0x40: {  	_ =	shalt  }
0x41: {  	_ =	shalt  }
0x42: {  	_ =	shalt  }
0x43: {  	_ =	shalt  }
0x44: {  	_ =	shalt  }
0x45: {  	_ =	shalt  }
0x46: {  	_ =	shalt  }
0x47: {  	_ =	shalt  }
0x48: {  	_ =	shalt  }
0x49: {  	_ =	shalt  }
0x4a: {  	_ =	shalt  }
0x4b: {  	_ =	shalt  }
0x4c: {  	_ =	shalt  }
0x4d: {  	_ =	shalt  }
0x4e: {  	_ =	shalt  }
0x4f: {  	_ =	shalt  }
0x50: {  	_ =	shalt  }
0x51: {  	_ =	shalt  }
0x52: {  	_ =	shalt  }
0x53: {  	_ =	shalt  }
0x54: {  	_ =	shalt  }
0x55: {  	_ =	shalt  }
0x56: {  	_ =	shalt  }
0x57: {  	_ =	shalt  }
0x58: {  	_ =	shalt  }
0x59: {  	_ =	shalt  }
0x5a: {  	_ =	shalt  }
0x5b: {  	_ =	shalt  }
0x5c: {  	_ =	shalt  }
0x5d: {  	_ =	shalt  }
0x5e: {  	_ =	shalt  }
0x5f: {  	_ =	shalt  }
0x60: {  	_ =	shalt  }
0x61: {  	_ =	shalt  }
0x62: {  	_ =	shalt  }
0x63: {  	_ =	shalt  }
0x64: {  	_ =	shalt  }
0x65: {  	_ =	shalt  }
0x66: {  	_ =	shalt  }
0x67: {  	_ =	shalt  }
0x68: {  	_ =	shalt  }
0x69: {  	_ =	shalt  }
0x6a: {  	_ =	shalt  }
0x6b: {  	_ =	shalt  }
0x6c: {  	_ =	shalt  }
0x6d: {  	_ =	shalt  }
0x6e: {  	_ =	shalt  }
0x6f: {  	_ =	shalt  }
0x70: {  	_ =	shalt  }
0x71: {  	_ =	shalt  }
0x72: {  	_ =	shalt  }
0x73: {  	_ =	shalt  }
0x74: {  	_ =	shalt  }
0x75: {  	_ =	shalt  }
0x76: {  	_ =	shalt  }
0x77: {  	_ =	shalt  }
0x78: {  	_ =	shalt  }
0x79: {  	_ =	shalt  }
0x7a: {  	_ =	shalt  }
0x7b: {  	_ =	shalt  }
0x7c: {  	_ =	shalt  }
0x7d: {  	_ =	shalt  }
0x7e: {  	_ =	shalt  }
0x7f: {  	_ =	shalt  }
0x80: {  	_ =	shalt  }
0x81: {  	_ =	shalt  }
0x82: {  	_ =	shalt  }
0x83: {  	_ =	shalt  }
0x84: {  	_ =	shalt  }
0x85: {  	_ =	shalt  }
0x86: {  	_ =	shalt  }
0x87: {  	_ =	shalt  }
.Lfunc_end0:
.L_simem_size_0:
called_computation.4_lowered:
.L_overlay_start_0:
0x88: {  	s2 =	sld [smem:$0x3FD9]  }
0x89: {  	s3 =	sld [smem:$0x3FFE];
	_ =	sdelay $0x1  }
0x8a: {  	s1 =	srdreg.scid  }
0x8b: {  	s0 =	sand.u32 $0x1, s1  }
0x8c: {  	s17 =	sshll.u32 s0, $0xA;
	s2 =	sadd.s32 s3, s2  }
0x8d: {  	s2 =	sadd.s32 s2, s17  }
0x8e: {  	[smem:$0x3F7D] =	sst s2  }
0x8f: {  	_ = 	snop  }
0x90: {  	(tm) =	ssettm $0x1  }
0x91: {  	s18 =	sld [smem:$0x3FFB];
	_ =	sdelay $0x3  }
0x92: {  	_ =	strace s18  }
0x93: {  	s2 =	sld [smem:$0x3FFC];
	_ =	sdelay $0x3  }
0x94: {  	_ =	strace s2  }
0x95: {  	s2 =	sld [smem:$0x3FFD];
	_ =	sdelay $0x3  }
0x96: {  	_ =	strace s2  }
0x97: {  	_ =	strace $0x8FFFFFFF  }
0x98: {  	s19 =	sld [smem:$0x3FDB];
	_ =	sdelay $0x1  }
0x99: {  	s20 =	simm.s32 $_scs_section_size  }
0x9a: {  	s4 =	simm.s32 $_size__tile_overlayer_lowered;
	s5 =	simm.s32 $_tile_overlayer_lowered  }
0x9b: {  	s6 =	simm.s32 $0x1BFF;
	s21 =	sshll.u32 s5, $0x1;
	s3 =	sadd.s32 s20, s19  }
0x9c: {  	s22 =	simm.s32 $0x0;
	s4 =	sshll.u32 s4, $0x1;
	s5 =	sadd.s32 s21, s3  }
0x9d: {  	[timem:s22], [sflag:s6] =	dma.local [hbm:s5], s4  }
0x9e: {  	_ =	swait.ge [sflag:s6], s4  }
0x9f: {  	s4 =	ssub.s32 $0x0, s4;
	[sflag:s6] =	ssyncset.done $0x0  }
0xa0: {  	[sflag:s6] =	ssyncadd.s32 s4;
	_ =	sdelay $0x1  }
0xa1: {  	s23 =	simm.s32 $0x1B8B  }
0xa2: {  	_ =	swait.ge [sflag:s23], $0x1  }
0xa3: {  	[sflag:s23] =	ssyncset.done $0x0  }
0xa4: {  	[sflag:s23] =	ssyncadd.s32 $0xFFFFFFFF  }
0xa5: {  	s4 =	sld [smem:$0x0]  }
0xa6: {  	s5 =	sand.u32 $0xFFFFFFFE, s1  }
0xa7: {  	p0 =	sne.s32 s1, s5  }
0xa8: {  	s5 =	sshll.u32 @p0 s5, $0xE  }
0xa9: {  	s5 =	sadd.s32 @p0 $0x11B8D, s5;
	s6 =	sshll.u32 @p0 s4, $0x11  }
0xaa: {  	s5 =	sor.u32 @p0 s6, s5  }
0xab: {  	[sflag:s5] =	ssyncadd.remote.s32 @p0 $0x1;
	_ =	sdelay $0x1  }
0xac: {  	s5 =	simm.s32 @p0 $0x1B8D  }
0xad: {  	_ =	swait.eq @p0 [sflag:s5], $0x1  }
0xae: {  	[sflag:s5] =	ssyncadd.s32 @p0 $0xFFFFFFFF  }
0xaf: {  	s6 =	sshll.u32 @!p0 s1, $0xE  }
0xb0: {  	s6 =	sor.u32 @!p0 $0x4000, s6;
	s5 =	simm.s32 @!p0 $0x1B8D  }
0xb1: {  	s4 =	sshll.u32 @!p0 s4, $0x11;
	s6 =	sadd.s32 @!p0 $0x11B8D, s6;
	_ =	swait.eq @!p0 [sflag:s5], $0x1  }
0xb2: {  	s4 =	sor.u32 @!p0 s4, s6;
	[sflag:s5] =	ssyncadd.s32 @!p0 $0xFFFFFFFF  }
0xb3: {  	s25 =	simm.s32 $0x1B8E;
	s24 =	sld [smem:$0x3FFE];
	[sflag:s4] =	ssyncadd.remote.s32 @!p0 $0x1  }
0xb4: {  	s26 =	simm.s32 $execute0_lowered;
	[smem:$0x3FD2] =	sst s25  }
0xb5: {  	s5 =	sshll.u32 s26, $0x1;
	_ =	strace $0x8000004F;
	[dreg:$0x1] =	wrdreg $0xFFFFFFFF  }
0xb6: {  	s28 =	simm.s32 $_size_execute0_lowered;
	s3 =	sadd.s32 s3, s5;
	[dreg:$0x0] =	wrdreg $0x0  }
0xb7: {  	s5 =	sshll.u32 s28, $0x1;
	[dreg:$0x2] =	wrdreg s3  }
0xb8: {  	[dreg:$0x3] =	wrdreg s5  }
0xb9: {  	[dreg:$0x4] =	wrdreg $0xC0  }
0xba: {  	_ =	task [dreg:s22], $0x5FFFF  }
0xbb: {  	[dreg:$0x1] =	wrdreg $0xFFFFFFFF  }
0xbc: {  	[dreg:$0x0] =	wrdreg $0x60  }
0xbd: {  	[dreg:$0x2] =	wrdreg s24  }
0xbe: {  	[dreg:$0x3] =	wrdreg $0xA  }
0xbf: {  	_ =	task.clear_ibuf [dreg:s22], $0x4FFFF;
	_ =	strace $0x9000004F  }
0xc0: {  	s29 =	simm.s32 $0xA;
	_ =	strace $0x80000051  }
0xc1: {  	_ =	swait.ge [sflag:s29], $0x1  }
0xc2: {  	[sflag:s29] =	ssyncadd.s32 $0xFFFFFFFF  }
0xc3: {  	_ =	strace $0x90000051  }
0xc4: {  	_ =	sfence  }
0xc5: {  	s30 =	sld [smem:$0x0];
	_ =	sdelay $0x2  }
0xc6: {  	s31 =	sshll.u32 s1, $0xD;
	s1 =	sshrl.u32 s1, $0x2  }
0xc7: {  	s4 =	sand.u32 $0x4000, s31;
	s1 =	sadd.s32 s1, s30  }
0xc8: {  	s0 =	sor.u32 s4, s0;
	s1 =	sshll.u32 s1, $0x11  }
0xc9: {  	s0 =	sor.u32 s1, s0  }
0xca: {  	s0 =	sadd.s32 $0x8F2B, s0  }
0xcb: {  	[sflag:s0] =	ssyncadd.remote.s32 $0x1  }
0xcc: {  	_ =	sfence.sel $0xFFFF  }
0xcd: {  	[dreg:$0x0] =	wrdreg $0xFFFFFFFF;
	(pc) =	sbr.abs _section_cstart, $3  }
0xce: {  	[dreg:$0x1] =	wrdreg $0xFFFFFFFF  }
0xcf: {  	_ =	task.clear_ibuf [dreg:s22], $0x2FFFF;
	_ =	strace $0x9FFFFFFF  }
0xd0: {  	(tm) =	ssettm $0x7FFFFFFF  }
0xd1: {  	_ =	shalt  }
tec
execute0_lowered:
.L_overlay_start_1:
0x0: {  	(tag) =	ssettag $0x1  }
0x1: {  	s1 =	srdreg.scid;
	s0 =	stileid.u32  }
0x2: {  	s17 =	sand.u32 $0x1, s1;
	s29 =	sshll.u32 s0, $0x1  }
0x3: {  	s13 =	sor.u32 s17, s29  }
0x4: {  	s18 =	smul.u32 $0x240, s13  }
0x5: {  	s14 =	rddreg [dreg:$0x0]  }
0x6: {  	s2 =	simm.s32 $0x0;
	s1 =	rddreg [dreg:$0x1];
	s3 =	sshrl.u32 s18, $0x3  }
0x7: {  	[smem:$0x7FF] =	sst s2;
	s3 =	sadd.s32 s3, s14  }
0x8: {  	_ =	strace $0x80000050;
	s4 =	sadd.s32 $0xC000, s3;
	s3 =	simm.s32 $0x3  }
0x9: {  	[tilespmem:s2], [sflag:$0x3] =	stream.linear.gather [hbm4b:s4+s2], $0x240, $0x38;
	[tilespmem:$0x12280] =	vst v63  }
0xa: {  	_ =	swait.ge [sflag:s3], $0x240  }
0xb: {  	s6 =	simm.s32 $0xC0;
	[sflag:s3] =	ssyncset.done $0x0  }
0xc: {  	s7 =	simm.s32 $0x280;
	s5 =	sadd.s32 $0x8F800, s14;
	[sflag:s3] =	ssyncadd.s32 $0xFFFFFDC0  }
0xd: {  	[tilespmem:s7], [sflag:$0x1] =	stream.indirect.gather [hbm4b:s5+s6], $0x100, s2, s6, $0xb8;
	[tilespmem:$0x12280] =	vst v63  }
0xe: {  	s9 =	simm.s32 $0xC280;
	s10 =	simm.s32 $0x1;
	s8 =	sadd.s32 $0x4F800, s14  }
0xf: {  	[tilespmem:s9], [sflag:$0x2] =	stream.indirect.gather [hbm4b:s8+s6], $0x80, s2, s6, $0xb8;
	[tilespmem:$0x12280] =	vst v63  }
0x10: {  	_ =	swait.ge [sflag:s10], $0xC000  }
0x11: {  	[sflag:s10] =	ssyncset.done $0x0  }
0x12: {  	s11 =	simm.s32 $0x2;
	[sflag:s10] =	ssyncadd.s32 $0xFFFF4000  }
0x13: {  	s12 =	smul.u32 $0x4800, s13;
	_ =	swait.ge [sflag:s11], $0x6000  }
0x14: {  	s19 =	sadd.s32 $0x10F800, s14;
	[sflag:s11] =	ssyncset.done $0x0  }
0x15: {  	s12 =	sadd.s32 s19, s12;
	[sflag:s11] =	ssyncadd.s32 $0xFFFFA000  }
0x16: {  	[hbm4b:s12+s2] =	stream.linear.scatter [tilespmem:s7], [sflag:$0x3], $0xC000, $0x38;
	[tilespmem:$0x12280] =	vst v63  }
0x17: {  	s13 =	smul.u32 $0x2400, s13;
	_ =	swait.ge [sflag:s3], $0xC000  }
0x18: {  	s20 =	sadd.s32 $0x19F800, s14;
	[sflag:s3] =	ssyncset.done $0x0  }
0x19: {  	s13 =	sadd.s32 s20, s13;
	[sflag:s3] =	ssyncadd.s32 $0xFFFF4000  }
0x1a: {  	[hbm4b:s13+s2] =	stream.linear.scatter [tilespmem:s9], [sflag:$0x3], $0x6000, $0x38;
	[tilespmem:$0x12280] =	vst v63  }
0x1b: {  	_ =	swait.ge [sflag:s3], $0x6000  }
0x1c: {  	[sflag:s3] =	ssyncset.done $0x0  }
0x1d: {  	[sflag:s3] =	ssyncadd.s32 $0xFFFFA000  }
0x1e: {  	[tilespmem:s7], [sflag:$0x1] =	stream.indirect.gather [hbm4b:s5+s6], $0x100, s6, s6, $0xb8;
	[tilespmem:$0x12280] =	vst v63  }
0x1f: {  	_ = 	snop  }
0x20: {  	[tilespmem:s9], [sflag:$0x2] =	stream.indirect.gather [hbm4b:s8+s6], $0x80, s6, s6, $0xb8;
	[tilespmem:$0x12280] =	vst v63  }
0x21: {  	_ =	swait.ge [sflag:s10], $0xC000  }
0x22: {  	[sflag:s10] =	ssyncset.done $0x0  }
0x23: {  	[sflag:s10] =	ssyncadd.s32 $0xFFFF4000  }
0x24: {  	s15 =	sadd.s32 $0xC0, s18;
	_ =	swait.ge [sflag:s11], $0x6000  }
0x25: {  	s30 =	sshll.u32 s15, $0x5;
	[sflag:s11] =	ssyncset.done $0x0  }
0x26: {  	s14 =	sadd.s32 s19, s30;
	[sflag:s11] =	ssyncadd.s32 $0xFFFFA000  }
0x27: {  	[hbm4b:s14+s2] =	stream.linear.scatter [tilespmem:s7], [sflag:$0x3], $0xC000, $0x38;
	[tilespmem:$0x12280] =	vst v63  }
0x28: {  	_ =	swait.ge [sflag:s3], $0xC000  }
0x29: {  	s15 =	sshll.u32 s15, $0x4;
	[sflag:s3] =	ssyncset.done $0x0  }
0x2a: {  	s15 =	sadd.s32 s20, s15;
	[sflag:s3] =	ssyncadd.s32 $0xFFFF4000  }
0x2b: {  	[hbm4b:s15+s2] =	stream.linear.scatter [tilespmem:s9], [sflag:$0x3], $0x6000, $0x38;
	[tilespmem:$0x12280] =	vst v63  }
0x2c: {  	_ =	swait.ge [sflag:s3], $0x6000  }
0x2d: {  	[sflag:s3] =	ssyncset.done $0x0  }
0x2e: {  	s16 =	simm.s32 $0x180;
	[sflag:s3] =	ssyncadd.s32 $0xFFFFA000  }
0x2f: {  	[tilespmem:s7], [sflag:$0x1] =	stream.indirect.gather [hbm4b:s5+s6], $0x100, s16, s6, $0xb8;
	[tilespmem:$0x12280] =	vst v63  }
0x30: {  	_ = 	snop  }
0x31: {  	[tilespmem:s9], [sflag:$0x2] =	stream.indirect.gather [hbm4b:s8+s6], $0x80, s16, s6, $0xb8;
	[tilespmem:$0x12280] =	vst v63  }
0x32: {  	_ =	swait.ge [sflag:s10], $0xC000  }
0x33: {  	[sflag:s10] =	ssyncset.done $0x0  }
0x34: {  	s22 =	ssub.s32 $0x2, s17;
	s18 =	sadd.s32 $0x180, s18;
	[sflag:s10] =	ssyncadd.s32 $0xFFFF4000  }
0x35: {  	s31 =	sshrl.u32 s22, $0x1;
	s21 =	sshll.u32 s18, $0x5;
	_ =	swait.ge [sflag:s11], $0x6000  }
0x36: {  	s17 =	sadd.s32 s19, s21;
	s19 =	ssub.s32 s22, s31;
	[sflag:s11] =	ssyncset.done $0x0  }
0x37: {  	s19 =	smax.u32 s19, $0x1;
	[sflag:s11] =	ssyncadd.s32 $0xFFFFA000  }
0x38: {  	[hbm4b:s17+s2] =	stream.linear.scatter [tilespmem:s7], [sflag:$0x3], $0xC000, $0x38;
	[tilespmem:$0x12280] =	vst v63  }
0x39: {  	p0 =	sne.s32 s19, $0x1;
	_ =	swait.ge [sflag:s3], $0xC000  }
.Ltmp0:
0x3a: {  	s18 =	sshll.u32 s18, $0x4;
	[sflag:s3] =	ssyncset.done $0x0;
	(pc) =	sbr.rel @!p0 .LBB2_2-.Ltmp0, $4  }
0x3b: {  	s18 =	sadd.s32 s20, s18;
	[sflag:s3] =	ssyncadd.s32 $0xFFFF4000  }
0x3c: {  	[hbm4b:s18+s2] =	stream.linear.scatter [tilespmem:s9], [sflag:$0x3], $0x6000, $0x38;
	[tilespmem:$0x12280] =	vst v63  }
0x3d: {  	_ =	swait.ge [sflag:s3], $0x6000  }
0x3e: {  	s19 =	sadd.s32 $0xFFFFFFFF, s19;
	[sflag:s3] =	ssyncset.done $0x0  }
.LBB2_1:
0x3f: {  	p0 =	sne.s32 s19, $0x1;
	s19 =	sadd.s32 $0xFFFFFFFF, s19;
	[sflag:s3] =	ssyncadd.s32 $0xFFFFA000  }
0x40: {  	[tilespmem:s2], [sflag:$0x3] =	stream.linear.gather [hbm4b:s4+s2], $0x240, $0x38;
	[tilespmem:$0x12280] =	vst v63  }
0x41: {  	_ =	swait.ge [sflag:s3], $0x240  }
0x42: {  	[sflag:s3] =	ssyncset.done $0x0  }
0x43: {  	[sflag:s3] =	ssyncadd.s32 $0xFFFFFDC0  }
0x44: {  	[tilespmem:s7], [sflag:$0x1] =	stream.indirect.gather [hbm4b:s5+s6], $0x100, s2, s6, $0xb8;
	[tilespmem:$0x12280] =	vst v63  }
0x45: {  	_ = 	snop  }
0x46: {  	[tilespmem:s9], [sflag:$0x2] =	stream.indirect.gather [hbm4b:s8+s6], $0x80, s2, s6, $0xb8;
	[tilespmem:$0x12280] =	vst v63  }
0x47: {  	_ =	swait.ge [sflag:s10], $0xC000  }
0x48: {  	[sflag:s10] =	ssyncset.done $0x0  }
0x49: {  	[sflag:s10] =	ssyncadd.s32 $0xFFFF4000  }
0x4a: {  	_ =	swait.ge [sflag:s11], $0x6000  }
0x4b: {  	[sflag:s11] =	ssyncset.done $0x0  }
0x4c: {  	[sflag:s11] =	ssyncadd.s32 $0xFFFFA000  }
0x4d: {  	[hbm4b:s12+s2] =	stream.linear.scatter [tilespmem:s7], [sflag:$0x3], $0xC000, $0x38;
	[tilespmem:$0x12280] =	vst v63  }
0x4e: {  	_ =	swait.ge [sflag:s3], $0xC000  }
0x4f: {  	[sflag:s3] =	ssyncset.done $0x0  }
0x50: {  	[sflag:s3] =	ssyncadd.s32 $0xFFFF4000  }
0x51: {  	[hbm4b:s13+s2] =	stream.linear.scatter [tilespmem:s9], [sflag:$0x3], $0x6000, $0x38;
	[tilespmem:$0x12280] =	vst v63  }
0x52: {  	_ =	swait.ge [sflag:s3], $0x6000  }
0x53: {  	[sflag:s3] =	ssyncset.done $0x0  }
0x54: {  	[sflag:s3] =	ssyncadd.s32 $0xFFFFA000  }
0x55: {  	[tilespmem:s7], [sflag:$0x1] =	stream.indirect.gather [hbm4b:s5+s6], $0x100, s6, s6, $0xb8;
	[tilespmem:$0x12280] =	vst v63  }
0x56: {  	_ = 	snop  }
0x57: {  	[tilespmem:s9], [sflag:$0x2] =	stream.indirect.gather [hbm4b:s8+s6], $0x80, s6, s6, $0xb8;
	[tilespmem:$0x12280] =	vst v63  }
0x58: {  	_ =	swait.ge [sflag:s10], $0xC000  }
0x59: {  	[sflag:s10] =	ssyncset.done $0x0  }
0x5a: {  	[sflag:s10] =	ssyncadd.s32 $0xFFFF4000  }
0x5b: {  	_ =	swait.ge [sflag:s11], $0x6000  }
0x5c: {  	[sflag:s11] =	ssyncset.done $0x0  }
0x5d: {  	[sflag:s11] =	ssyncadd.s32 $0xFFFFA000  }
0x5e: {  	[hbm4b:s14+s2] =	stream.linear.scatter [tilespmem:s7], [sflag:$0x3], $0xC000, $0x38;
	[tilespmem:$0x12280] =	vst v63  }
0x5f: {  	_ =	swait.ge [sflag:s3], $0xC000  }
0x60: {  	[sflag:s3] =	ssyncset.done $0x0  }
0x61: {  	[sflag:s3] =	ssyncadd.s32 $0xFFFF4000  }
0x62: {  	[hbm4b:s15+s2] =	stream.linear.scatter [tilespmem:s9], [sflag:$0x3], $0x6000, $0x38;
	[tilespmem:$0x12280] =	vst v63  }
0x63: {  	_ =	swait.ge [sflag:s3], $0x6000  }
0x64: {  	[sflag:s3] =	ssyncset.done $0x0  }
0x65: {  	[sflag:s3] =	ssyncadd.s32 $0xFFFFA000  }
0x66: {  	[tilespmem:s7], [sflag:$0x1] =	stream.indirect.gather [hbm4b:s5+s6], $0x100, s16, s6, $0xb8;
	[tilespmem:$0x12280] =	vst v63  }
0x67: {  	_ = 	snop  }
0x68: {  	[tilespmem:s9], [sflag:$0x2] =	stream.indirect.gather [hbm4b:s8+s6], $0x80, s16, s6, $0xb8;
	[tilespmem:$0x12280] =	vst v63  }
0x69: {  	_ =	swait.ge [sflag:s10], $0xC000  }
0x6a: {  	[sflag:s10] =	ssyncset.done $0x0  }
0x6b: {  	[sflag:s10] =	ssyncadd.s32 $0xFFFF4000  }
0x6c: {  	_ =	swait.ge [sflag:s11], $0x6000  }
0x6d: {  	[sflag:s11] =	ssyncset.done $0x0  }
0x6e: {  	[sflag:s11] =	ssyncadd.s32 $0xFFFFA000  }
0x6f: {  	[hbm4b:s17+s2] =	stream.linear.scatter [tilespmem:s7], [sflag:$0x3], $0xC000, $0x38;
	[tilespmem:$0x12280] =	vst v63  }
0x70: {  	_ =	swait.ge [sflag:s3], $0xC000  }
.Ltmp1:
0x71: {  	[sflag:s3] =	ssyncset.done $0x0;
	(pc) =	sbr.rel @p0 .LBB2_1-.Ltmp1, $4  }
0x72: {  	[sflag:s3] =	ssyncadd.s32 $0xFFFF4000  }
0x73: {  	[hbm4b:s18+s2] =	stream.linear.scatter [tilespmem:s9], [sflag:$0x3], $0x6000, $0x38;
	[tilespmem:$0x12280] =	vst v63  }
0x74: {  	_ =	swait.ge [sflag:s3], $0x6000  }
0x75: {  	[sflag:s3] =	ssyncset.done $0x0  }
.LBB2_2:
0x76: {  	[sflag:s3] =	ssyncadd.s32 $0xFFFFA000  }
0x77: {  	_ =	sfence.sel $0x180000  }
0x78: {  	[bflag:$0x0] =	sbarrier.arrive $0xFFFF  }
0x79: {  	p0 =	sne.s32 s0, $0x0;
	_ =	strace $0x90000050  }
0x7a: {  	s0 =	sadd.s32 @!p0 $0x100000, s1;
	[bflag:$0x2] =	sbarrier.arrive $0xFFFF  }
0x7b: {  	[sflag:s0] =	ssyncadd.tile.s32 @!p0 $0x1;
	_ =	shalt  }
.Lfunc_end2:
_tile_overlayer_lowered:
.L_overlay_start_2:
0x7c: {  	(tag) =	ssettag $0x2  }
0x7d: {  	s0 =	rddreg [dreg:$0x0];
	s2 =	stileid.u32  }
0x7e: {  	s1 =	rddreg [dreg:$0x1];
	p0 =	sne.s32 s2, $0x0  }
0x7f: {  	s3 =	rddreg [dreg:$0x2];
	[bflag:$0x3] =	sbarrier.arrive $0xFFFF;
	s2 =	simm.s32 @!p0 $0x1C03  }
0x80: {  	[timem:s3], [sflag:s2] =	dma.local @!p0 [hbm:s0], s1  }
0x81: {  	s0 =	simm.s32 @!p0 $0x3  }
0x82: {  	_ =	swait.ge @!p0 [sflag:s0], s1  }
0x83: {  	s1 =	ssub.s32 @!p0 $0x0, s1;
	[sflag:s0] =	ssyncset.done @!p0 $0x0  }
0x84: {  	[sflag:s0] =	ssyncadd.s32 @!p0 s1  }
0x85: {  	[bflag:$0x3] =	sbarrier.arrive $0xFFFF  }
0x86: {  	_ =	shalt  }

// kernel: gather_offload_async_start.1
scs
__scs_entry_jumppad:
0x0: {  	(pc) =	sbr.rel $0x88, $3  }
0x1: {  	(tag) =	ssettag $0x0;
	lr =	simm.s32 $0x1  }
0x2: {  	[smem:$0x3F56] =	sst lr;
	_ =	strace $0xD0000000  }
0x3: {  	_ = 	snop  }
0x4: {  	_ = 	snop  }
0x5: {  	_ = 	snop  }
0x6: {  	_ = 	snop  }
0x7: {  	_ = 	snop  }
__scs_overlays_trampoline_lowered:
0x8: {  	[smem:$0x3F65] =	sst s0  }
0x9: {  	[smem:$0x3F66] =	sst s1  }
0xa: {  	[smem:$0x3F67] =	sst s2  }
0xb: {  	[smem:$0x3F68] =	sst s3  }
0xc: {  	[smem:$0x3F69] =	sst s4  }
0xd: {  	[smem:$0x3F6A] =	sst s5  }
0xe: {  	[smem:$0x3F6B] =	sst s6  }
0xf: {  	[smem:$0x3F6C] =	sst s7  }
0x10: {  	[smem:$0x3F6D] =	sst s8  }
0x11: {  	[smem:$0x3F6E] =	sst s9;
	s0 =	simm.s32 @!p0 $0x0  }
0x12: {  	s1 =	sld [smem:$0x3F54];
	s0 =	simm.s32 @p0 $0x1  }
0x13: {  	[smem:$0x3F6F] =	sst s0;
	s0 =	simm.s32 @!p1 $0x0  }
0x14: {  	s2 =	sld [smem:$0x3F53];
	s0 =	simm.s32 @p1 $0x1  }
0x15: {  	[smem:$0x3F70] =	sst s0;
	s0 =	simm.s32 @!p2 $0x0  }
0x16: {  	s3 =	sld [smem:$0x3FDB];
	s0 =	simm.s32 @p2 $0x1  }
0x17: {  	s4 =	simm.s32 $0x1BF5;
	[smem:$0x3F72] =	sst s0  }
0x18: {  	s0 =	sld [smem:$0x3F55];
	_ =	swait.ge [sflag:s4], $0x0  }
0x19: {  	s7 =	sld [smem:$0x3F56]  }
0x1a: {  	s8 =	sadd.s32 $0xFFFFE003, lr  }
0x1b: {  	s9 =	sadd.s32 $0xFFFFFEF7, lr;
	s5 =	simm.s32 $0xFFFFFFFF;
	p2 =	slt.u32 s8, $0xFFFFF086  }
0x1c: {  	p1 =	slt.u32 s9, $0xF7A;
	s5 =	simm.s32 @!p2 $0x0  }
0x1d: {  	s5 =	simm.s32 @p1 $0x1;
	p0 =	seq.s32 s7, s2  }
0x1e: {  	s7 =	smul.u32 @!p0 $0xF7A, s2;
	p2 =	seq.s32 @!p0 s5, $0x0  }
0x1f: {  	s9 =	smul.u32 $0xF7A, s1;
	s8 =	simm.s32 @!p0 $0x1BF5;
	p2 =	por !p2, p0  }
0x20: {  	[sflag:s8] =	ssyncset.s32 @!p0 $0xFFFFF086;
	s6 =	sadd.s32 @!p0 s3, s7;
	s7 =	simm.s32 @!p0 $0x108  }
0x21: {  	s3 =	sadd.s32 s3, s9;
	s6 =	sadd.s32 @!p0 $0x88, s6;
	s7 =	simm.s32 @p2 $0x1082  }
0x22: {  	[simem:s7], [sflag:s8] =	dma.local @!p0 [hbm:s6], $0xF7A  }
0x23: {  	s9 =	sor.u32 $0xD0000000, s2;
	s6 =	simm.s32 $0x108;
	_ =	swait.ge @!p0 [sflag:s8], $0x0  }
0x24: {  	s3 =	sadd.s32 $0x88, s3;
	s6 =	simm.s32 @!p1 $0x1082;
	[sflag:s4] =	ssyncset.s32 $0xFFFFF086  }
0x25: {  	[simem:s6], [sflag:s4] =	dma.local [hbm:s3], $0xF7A  }
0x26: {  	[smem:$0x3F56] =	sst s1;
	(tag) =	ssettag s2;
	_ =	strace s9  }
0x27: {  	s1 =	sld [smem:$0x3F66]  }
0x28: {  	s2 =	sld [smem:$0x3F67]  }
0x29: {  	s4 =	sld [smem:$0x3F69]  }
0x2a: {  	p0 =	seq.s32 s5, $0x0;
	s5 =	sld [smem:$0x3F6A]  }
0x2b: {  	s6 =	sld [smem:$0x3F6B]  }
0x2c: {  	s7 =	sld [smem:$0x3F6C]  }
0x2d: {  	s3 =	simm.s32 $0x108;
	s8 =	sld [smem:$0x3F6D]  }
0x2e: {  	s3 =	simm.s32 @!p0 $0x1082;
	s9 =	sld [smem:$0x3F6E]  }
0x2f: {  	lr =	sadd.s32 s0, s3;
	s0 =	sld [smem:$0x3F65]  }
0x30: {  	s3 =	sld [smem:$0x3F68]  }
0x31: {  	[smem:$0x3F71] =	sst s10  }
0x32: {  	s10 =	sld [smem:$0x3F6F];
	_ =	sdelay $0x3  }
0x33: {  	p0 =	seq.s32 s10, $0x1;
	s10 =	sld [smem:$0x3F71];
	_ =	sdelay $0x3  }
0x34: {  	[smem:$0x3F71] =	sst s10  }
0x35: {  	s10 =	sld [smem:$0x3F70];
	_ =	sdelay $0x3  }
0x36: {  	p1 =	seq.s32 s10, $0x1;
	s10 =	sld [smem:$0x3F71];
	_ =	sdelay $0x3  }
0x37: {  	[smem:$0x3F71] =	sst s10  }
0x38: {  	s10 =	sld [smem:$0x3F72]  }
0x39: {  	_ = 	snop;
	(pc) =	sbr.ind lr, $3  }
0x3a: {  	_ = 	snop  }
0x3b: {  	_ = 	snop  }
0x3c: {  	p2 =	seq.s32 s10, $0x1;
	s10 =	sld [smem:$0x3F71]  }
0x3d: {  	_ =	shalt  }
0x3e: {  	_ =	shalt  }
0x3f: {  	_ =	shalt  }
0x40: {  	_ =	shalt  }
0x41: {  	_ =	shalt  }
0x42: {  	_ =	shalt  }
0x43: {  	_ =	shalt  }
0x44: {  	_ =	shalt  }
0x45: {  	_ =	shalt  }
0x46: {  	_ =	shalt  }
0x47: {  	_ =	shalt  }
0x48: {  	_ =	shalt  }
0x49: {  	_ =	shalt  }
0x4a: {  	_ =	shalt  }
0x4b: {  	_ =	shalt  }
0x4c: {  	_ =	shalt  }
0x4d: {  	_ =	shalt  }
0x4e: {  	_ =	shalt  }
0x4f: {  	_ =	shalt  }
0x50: {  	_ =	shalt  }
0x51: {  	_ =	shalt  }
0x52: {  	_ =	shalt  }
0x53: {  	_ =	shalt  }
0x54: {  	_ =	shalt  }
0x55: {  	_ =	shalt  }
0x56: {  	_ =	shalt  }
0x57: {  	_ =	shalt  }
0x58: {  	_ =	shalt  }
0x59: {  	_ =	shalt  }
0x5a: {  	_ =	shalt  }
0x5b: {  	_ =	shalt  }
0x5c: {  	_ =	shalt  }
0x5d: {  	_ =	shalt  }
0x5e: {  	_ =	shalt  }
0x5f: {  	_ =	shalt  }
0x60: {  	_ =	shalt  }
0x61: {  	_ =	shalt  }
0x62: {  	_ =	shalt  }
0x63: {  	_ =	shalt  }
0x64: {  	_ =	shalt  }
0x65: {  	_ =	shalt  }
0x66: {  	_ =	shalt  }
0x67: {  	_ =	shalt  }
0x68: {  	_ =	shalt  }
0x69: {  	_ =	shalt  }
0x6a: {  	_ =	shalt  }
0x6b: {  	_ =	shalt  }
0x6c: {  	_ =	shalt  }
0x6d: {  	_ =	shalt  }
0x6e: {  	_ =	shalt  }
0x6f: {  	_ =	shalt  }
0x70: {  	_ =	shalt  }
0x71: {  	_ =	shalt  }
0x72: {  	_ =	shalt  }
0x73: {  	_ =	shalt  }
0x74: {  	_ =	shalt  }
0x75: {  	_ =	shalt  }
0x76: {  	_ =	shalt  }
0x77: {  	_ =	shalt  }
0x78: {  	_ =	shalt  }
0x79: {  	_ =	shalt  }
0x7a: {  	_ =	shalt  }
0x7b: {  	_ =	shalt  }
0x7c: {  	_ =	shalt  }
0x7d: {  	_ =	shalt  }
0x7e: {  	_ =	shalt  }
0x7f: {  	_ =	shalt  }
0x80: {  	_ =	shalt  }
0x81: {  	_ =	shalt  }
0x82: {  	_ =	shalt  }
0x83: {  	_ =	shalt  }
0x84: {  	_ =	shalt  }
0x85: {  	_ =	shalt  }
0x86: {  	_ =	shalt  }
0x87: {  	_ =	shalt  }
.Lfunc_end0:
.L_simem_size_0:
called_computation.3_lowered:
.L_overlay_start_0:
0x88: {  	s2 =	sld [smem:$0x3FD9]  }
0x89: {  	s3 =	sld [smem:$0x3FFE];
	_ =	sdelay $0x1  }
0x8a: {  	s1 =	srdreg.scid  }
0x8b: {  	s0 =	sand.u32 $0x1, s1  }
0x8c: {  	s17 =	sshll.u32 s0, $0xA;
	s2 =	sadd.s32 s3, s2  }
0x8d: {  	s2 =	sadd.s32 s2, s17  }
0x8e: {  	[smem:$0x3F7D] =	sst s2  }
0x8f: {  	_ = 	snop  }
0x90: {  	s2 =	sld [smem:$0x3FC6];
	(tm) =	ssettm $0x1  }
0x91: {  	s18 =	sld [smem:$0x3FFB];
	_ =	sdelay $0x3  }
0x92: {  	_ =	strace s18  }
0x93: {  	s3 =	sld [smem:$0x3FFC];
	_ =	sdelay $0x3  }
0x94: {  	_ =	strace s3  }
0x95: {  	s3 =	sld [smem:$0x3FFD];
	_ =	sdelay $0x3  }
0x96: {  	_ =	strace s3  }
0x97: {  	_ =	strace $0x8FFFFFFF  }
0x98: {  	s19 =	sld [smem:$0x3FDB];
	_ =	sdelay $0x1  }
0x99: {  	s4 =	simm.s32 $_scs_section_size  }
0x9a: {  	s5 =	simm.s32 $_size__tile_overlayer_lowered;
	s6 =	simm.s32 $_tile_overlayer_lowered  }
0x9b: {  	s22 =	simm.s32 $0x1BFF;
	s21 =	sshll.u32 s6, $0x1;
	s3 =	sadd.s32 s4, s19  }
0x9c: {  	s7 =	simm.s32 $0x0;
	s20 =	sshll.u32 s5, $0x1;
	s5 =	sadd.s32 s21, s3  }
0x9d: {  	[timem:s7], [sflag:s22] =	dma.local [hbm:s5], s20  }
0x9e: {  	_ =	swait.ge [sflag:s22], s20  }
0x9f: {  	s4 =	ssub.s32 $0x0, s20;
	[sflag:s22] =	ssyncset.done $0x0  }
0xa0: {  	[sflag:s22] =	ssyncadd.s32 s4;
	_ =	sdelay $0x1  }
0xa1: {  	s23 =	simm.s32 $0x1B8B  }
0xa2: {  	_ =	swait.ge [sflag:s23], $0x1  }
0xa3: {  	[sflag:s23] =	ssyncset.done $0x0  }
0xa4: {  	s25 =	simm.s32 $0x1B8E;
	s24 =	sld [smem:$0x3FFE];
	[sflag:s23] =	ssyncadd.s32 $0xFFFFFFFF  }
0xa5: {  	s26 =	simm.s32 $execute0_lowered;
	[smem:$0x3FD2] =	sst s25  }
0xa6: {  	s5 =	sshll.u32 s26, $0x1;
	_ =	strace $0x8000004C;
	[dreg:$0x1] =	wrdreg $0xFFFFFFFF  }
0xa7: {  	s28 =	simm.s32 $_size_execute0_lowered;
	s3 =	sadd.s32 s3, s5;
	[dreg:$0x0] =	wrdreg $0x0  }
0xa8: {  	s5 =	sshll.u32 s28, $0x1;
	[dreg:$0x2] =	wrdreg s3  }
0xa9: {  	[dreg:$0x3] =	wrdreg s5  }
0xaa: {  	[dreg:$0x4] =	wrdreg $0xC0  }
0xab: {  	_ =	task [dreg:s7], $0x5FFFF  }
0xac: {  	[dreg:$0x1] =	wrdreg $0xFFFFFFFF  }
0xad: {  	[dreg:$0x0] =	wrdreg $0x60  }
0xae: {  	[dreg:$0x2] =	wrdreg s2  }
0xaf: {  	[dreg:$0x3] =	wrdreg s24  }
0xb0: {  	[dreg:$0x4] =	wrdreg $0x9  }
0xb1: {  	_ =	task.clear_ibuf [dreg:s7], $0x5FFFF;
	_ =	strace $0x9000004C  }
0xb2: {  	s29 =	simm.s32 $0x9;
	_ =	strace $0x8000004E  }
0xb3: {  	_ =	swait.ge [sflag:s29], $0x1  }
0xb4: {  	[sflag:s29] =	ssyncadd.s32 $0xFFFFFFFF  }
0xb5: {  	_ =	strace $0x9000004E  }
0xb6: {  	_ =	sfence  }
0xb7: {  	s30 =	sld [smem:$0x0];
	_ =	sdelay $0x2  }
0xb8: {  	s31 =	sshll.u32 s1, $0xD;
	s1 =	sshrl.u32 s1, $0x2  }
0xb9: {  	s3 =	sand.u32 $0x4000, s31;
	s1 =	sadd.s32 s1, s30  }
0xba: {  	s0 =	sor.u32 s3, s0;
	s1 =	sshll.u32 s1, $0x11  }
0xbb: {  	s0 =	sor.u32 s1, s0  }
0xbc: {  	s0 =	sadd.s32 $0x8F2B, s0  }
0xbd: {  	[sflag:s0] =	ssyncadd.remote.s32 $0x1  }
0xbe: {  	_ =	sfence.sel $0xFFFF  }
0xbf: {  	[dreg:$0x0] =	wrdreg $0xFFFFFFFF;
	(pc) =	sbr.abs _section_cstart, $3  }
0xc0: {  	[dreg:$0x1] =	wrdreg $0xFFFFFFFF  }
0xc1: {  	_ =	task.clear_ibuf [dreg:s7], $0x2FFFF;
	_ =	strace $0x9FFFFFFF  }
0xc2: {  	(tm) =	ssettm $0x7FFFFFFF  }
0xc3: {  	_ =	shalt  }
tec
execute0_lowered:
.L_overlay_start_1:
0x0: {  	(tag) =	ssettag $0x1  }
0x1: {  	s1 =	srdreg.scid;
	s2 =	rddreg [dreg:$0x0]  }
0x2: {  	s0 =	stileid.u32;
	s5 =	rddreg [dreg:$0x1];
	s6 =	simm.s32 $0x1  }
0x3: {  	s9 =	simm.s32 $0x1;
	s10 =	simm.s32 $0x3;
	s1 =	sshll.u32 s1, $0x9  }
0x4: {  	s13 =	simm.s32 $0x0;
	s3 =	sshll.u32 s0, $0xA;
	s4 =	sand.u32 $0x200, s1  }
0x5: {  	s12 =	simm.s32 $0x0;
	s1 =	rddreg [dreg:$0x2];
	s3 =	sor.u32 s3, s4  }
0x6: {  	_ =	strace $0x8000004D;
	s4 =	sadd.s32 $0xCA00, s5;
	s8 =	ssub.s32 $0x4800, s3  }
.Ltmp0:
0x7: {  	s5 =	sadd.s32 $0xE400, s5;
	s7 =	sand.u32 $0x3E00, s8;
	(pc) =	sbr.rel .LBB2_1-.Ltmp0, $4  }
0x8: {  	[sflag:s6] =	ssyncpa.u1 $0x0;
	s11 =	smov.u32 s3;
	p0 =	sne.s32 s7, $0x0  }
0x9: {  	s8 =	sshrl.u32 s8, $0xE;
	s7 =	simm.s32 $0x2;
	s9 =	simm.s32 @!p0 $0x0  }
0xa: {  	[sflag:s7] =	ssyncpa.u1 $0x0;
	p0 =	por $0x0, $0x0;
	s8 =	sadd.s32 s9, s8  }
0xb: {  	vm0 =	vmmov $0xffff;
	[sflag:s10] =	ssyncpa.u1 $0x0;
	s10 =	simm.s32 $0x0;
	s9 =	sadd.s32 $0x1, s8  }
.LBB2_4:
0xc: {  	v2 =	vnsel vm1, $0x0, v2  }
0xd: {  	vm1 =	vgt.s32 v0, $0x0;
	v2 =	vmin.u32 v2, $0x3FFF  }
0xe: {  	v0 =	vnsel vm1, $0x0, v0  }
0xf: {  	v0 =	vmin.u32 v0, $0x3FFF  }
0x10: {  	[tilespmem:s15], [sflag:$0x1] =	stream.indirect_vreg.gather [hbm4b:s2+s10], $0x1, v1, vm0, $0x4038;
	[tilespmem:$0x800] =	vst v63  }
0x11: {  	(ifvalue) =	ssetifvalue $0x7FFFFFFF  }
0x12: {  	[tilespmem:s16], [sflag:$0x1] =	stream.indirect_vreg.gather [hbm4b:s2+s10], $0x1, v2, vm0, $0x4038;
	[tilespmem:$0x800] =	vst v63  }
0x13: {  	s29 =	sadd.s32 $0x10, s16;
	(ifvalue) =	ssetifvalue $0x7FFFFFFF  }
0x14: {  	[tilespmem:s29], [sflag:$0x1] =	stream.indirect_vreg.gather [hbm4b:s2+s10], $0x1, v0, vm0, $0x4038;
	[tilespmem:$0x800] =	vst v63  }
0x15: {  	_ =	swait.ge [sflag:s6], $0x200  }
0x16: {  	s30 =	sshrl.u32 s13, $0x3;
	[sflag:s6] =	ssyncset.done $0x0  }
0x17: {  	s31 =	sand.u32 $0x7, s13;
	s15 =	sadd.s32 s5, s30;
	[sflag:s6] =	ssyncadd.s32 $0xFFFFFE00  }
0x18: {  	[hbm4b:s15+s31] =	stream.linear.scatter [tilespmem:s14], [sflag:$0x3], $0x200, $0x38;
	[tilespmem:$0x800] =	vst v63  }
.LBB2_5:
0x19: {  	s15 =	sadd.s32 $0x4000, s11  }
0x1a: {  	p2 =	sgt.s32 s15, $0x47FF  }
0x1b: {  	s15 =	smov.u32 @p2 s3;
	p2 =	sne.s32 s12, s9  }
.Ltmp1:
0x1c: {  	p1 =	slt.u32 s12, $0x2;
	(pc) =	sbr.rel @!p2 .LBB2_6-.Ltmp1, $4  }
0x1d: {  	s14 =	simm.s32 @!p1 $0x3  }
0x1e: {  	s16 =	sadd.s32 $0x1, s12;
	_ =	swait.ge @!p1 [sflag:s14], $0x200  }
0x1f: {  	s13 =	smov.u32 s11;
	p0 =	por !p0, !p0;
	[sflag:s14] =	ssyncset.done @!p1 $0x0  }
0x20: {  	s12 =	smov.u32 s16;
	s11 =	smov.u32 s15;
	[sflag:s14] =	ssyncadd.s32 @!p1 $0xFFFFFE00  }
.LBB2_1:
0x21: {  	p1 =	sge.u32 s12, s8  }
0x22: {  	s14 =	sxor.u32 @!p1 $0xFFFFFFFF, s12  }
0x23: {  	s31 =	sadd.s32 $0xFFFFFFFF, s12;
	s15 =	sshrl.u32 @!p1 s11, $0x3;
	s14 =	sshll.u32 @!p1 s14, $0x9  }
0x24: {  	s16 =	sand.u32 @!p1 $0x7, s11;
	s15 =	sadd.s32 @!p1 s4, s15;
	s14 =	sand.u32 @!p1 $0x200, s14  }
0x25: {  	[tilespmem:s14], [sflag:$0x2] =	stream.linear.gather @!p1 [hbm4b:s15+s16], $0x200, $0x38;
	[tilespmem:$0x800] =	vst v63  }
0x26: {  	p1 =	sge.u32 s31, s8  }
.Ltmp2:
0x27: {  	_ = 	snop;
	(pc) =	sbr.rel @p1 .LBB2_5-.Ltmp2, $1  }
0x28: {  	_ =	sdelay $0x3  }
0x29: {  	s14 =	simm.s32 $0x1  }
0x2a: {  	_ =	swait.ge [sflag:s7], $0x200;
	s14 =	simm.s32 @!p0 $0x0  }
0x2b: {  	[sflag:s7] =	ssyncset.done $0x0;
	s14 =	sshll.u32 s14, $0x9  }
0x2c: {  	[sflag:s7] =	ssyncadd.s32 $0xFFFFFE00;
	(ifvalue) =	ssetifvalue $0x7FFFFFFF;
	v0 =	vld.msk [tilespmem:s14+$0x0 ss:$0x1], $0xffff;
	_ =	sdelay $0x4  }
0x2d: {  	s15 =	sadd.s32 $0x10, s14;
	vm1 =	vgt.s32 v0, $0x0  }
0x2e: {  	v2 =	vld.msk [tilespmem:s15+$0x0 ss:$0x1], $0xffff;
	v1 =	vnsel vm1, $0x0, v0  }
0x2f: {  	v1 =	vmin.u32 v1, $0x3FFF;
	_ =	sdelay $0x1  }
0x30: {  	s16 =	sshll.u32 s12, $0x9;
	s18 =	simm.s32 $0x20  }
0x31: {  	s16 =	sand.u32 $0x200, s16;
	s17 =	sadd.s32 $0x10, s15;
	s15 =	sor.u32 $0x400, s14  }
0x32: {  	s14 =	sor.u32 $0x400, s16;
	s16 =	sadd.s32 $0x10, s15;
	v0 =	vld.msk [tilespmem:s17+$0x0 ss:$0x1], $0xffff;
	vm1 =	vgt.s32 v2, $0x0;
	(ifvalue) =	ssetifvalue $0x7FFFFFFF  }
.LBB2_3:
0x33: {  	[tilespmem:s15], [sflag:$0x1] =	stream.indirect_vreg.gather [hbm4b:s2+s10], $0x1, v1, vm0, $0x4038;
	[tilespmem:$0x800] =	vst v63  }
0x34: {  	s18 =	sadd.s32 $0x10, s18  }
0x35: {  	v2 =	vnsel vm1, $0x0, v2;
	p1 =	slt.u32 s18, $0x1F0  }
.Ltmp3:
0x36: {  	s15 =	smov.u32 s16;
	v1 =	vmin.u32 v2, $0x3FFF;
	(pc) =	sbr.rel @p1 .LBB2_3-.Ltmp3, $3  }
0x37: {  	_ =	sdelay $0x1  }
0x38: {  	s17 =	sadd.s32 $0x10, s17  }
0x39: {  	vm1 =	vgt.s32 v0, $0x0;
	s16 =	sadd.s32 $0x10, s16;
	v2 =	vmov v0;
	(ifvalue) =	ssetifvalue $0x7FFFFFFF;
	v0 =	vld.msk [tilespmem:s17+$0x0 ss:$0x1], $0xffff  }
.Ltmp4:
0x3a: {  	_ = 	snop;
	(pc) =	sbr.rel .LBB2_4-.Ltmp4, $1  }
0x3b: {  	_ =	sdelay $0x3  }
.LBB2_6:
0x3c: {  	_ =	sfence.sel $0x180000  }
0x3d: {  	s2 =	simm.s32 $0x2;
	[bflag:$0x0] =	sbarrier.arrive $0xFFFF  }
0x3e: {  	s30 =	simm.s32 $0x3;
	[sflag:s2] =	ssyncpa.u1 $0x1  }
0x3f: {  	s31 =	simm.s32 $0x1;
	[sflag:s30] =	ssyncpa.u1 $0x1  }
0x40: {  	[sflag:s31] =	ssyncpa.u1 $0x1  }
0x41: {  	p0 =	sne.s32 s0, $0x0;
	_ =	strace $0x9000004D  }
0x42: {  	s0 =	sadd.s32 @!p0 $0x100000, s1;
	[bflag:$0x2] =	sbarrier.arrive $0xFFFF  }
0x43: {  	[sflag:s0] =	ssyncadd.tile.s32 @!p0 $0x1;
	_ =	shalt  }
.Lfunc_end2:
_tile_overlayer_lowered:
.L_overlay_start_2:
0x44: {  	(tag) =	ssettag $0x2  }
0x45: {  	s0 =	rddreg [dreg:$0x0];
	s2 =	stileid.u32  }
0x46: {  	s1 =	rddreg [dreg:$0x1];
	p0 =	sne.s32 s2, $0x0  }
0x47: {  	s3 =	rddreg [dreg:$0x2];
	[bflag:$0x3] =	sbarrier.arrive $0xFFFF;
	s2 =	simm.s32 @!p0 $0x1C01  }
0x48: {  	[timem:s3], [sflag:s2] =	dma.local @!p0 [hbm:s0], s1  }
0x49: {  	s0 =	simm.s32 @!p0 $0x1  }
0x4a: {  	_ =	swait.ge @!p0 [sflag:s0], s1  }
0x4b: {  	s1 =	ssub.s32 @!p0 $0x0, s1;
	[sflag:s0] =	ssyncset.done @!p0 $0x0  }
0x4c: {  	[sflag:s0] =	ssyncadd.s32 @!p0 s1  }
0x4d: {  	[bflag:$0x3] =	sbarrier.arrive $0xFFFF  }
0x4e: {  	_ =	shalt  }

// kernel: gather_offload_async_start
scs
__scs_entry_jumppad:
0x0: {  	(pc) =	sbr.rel $0x88, $3  }
0x1: {  	(tag) =	ssettag $0x0;
	lr =	simm.s32 $0x1  }
0x2: {  	[smem:$0x3F56] =	sst lr;
	_ =	strace $0xD0000000  }
0x3: {  	_ = 	snop  }
0x4: {  	_ = 	snop  }
0x5: {  	_ = 	snop  }
0x6: {  	_ = 	snop  }
0x7: {  	_ = 	snop  }
__scs_overlays_trampoline_lowered:
0x8: {  	[smem:$0x3F65] =	sst s0  }
0x9: {  	[smem:$0x3F66] =	sst s1  }
0xa: {  	[smem:$0x3F67] =	sst s2  }
0xb: {  	[smem:$0x3F68] =	sst s3  }
0xc: {  	[smem:$0x3F69] =	sst s4  }
0xd: {  	[smem:$0x3F6A] =	sst s5  }
0xe: {  	[smem:$0x3F6B] =	sst s6  }
0xf: {  	[smem:$0x3F6C] =	sst s7  }
0x10: {  	[smem:$0x3F6D] =	sst s8  }
0x11: {  	[smem:$0x3F6E] =	sst s9;
	s0 =	simm.s32 @!p0 $0x0  }
0x12: {  	s1 =	sld [smem:$0x3F54];
	s0 =	simm.s32 @p0 $0x1  }
0x13: {  	[smem:$0x3F6F] =	sst s0;
	s0 =	simm.s32 @!p1 $0x0  }
0x14: {  	s2 =	sld [smem:$0x3F53];
	s0 =	simm.s32 @p1 $0x1  }
0x15: {  	[smem:$0x3F70] =	sst s0;
	s0 =	simm.s32 @!p2 $0x0  }
0x16: {  	s3 =	sld [smem:$0x3FDB];
	s0 =	simm.s32 @p2 $0x1  }
0x17: {  	s4 =	simm.s32 $0x1BF5;
	[smem:$0x3F72] =	sst s0  }
0x18: {  	s0 =	sld [smem:$0x3F55];
	_ =	swait.ge [sflag:s4], $0x0  }
0x19: {  	s7 =	sld [smem:$0x3F56]  }
0x1a: {  	s8 =	sadd.s32 $0xFFFFE003, lr  }
0x1b: {  	s9 =	sadd.s32 $0xFFFFFEF7, lr;
	s5 =	simm.s32 $0xFFFFFFFF;
	p2 =	slt.u32 s8, $0xFFFFF086  }
0x1c: {  	p1 =	slt.u32 s9, $0xF7A;
	s5 =	simm.s32 @!p2 $0x0  }
0x1d: {  	s5 =	simm.s32 @p1 $0x1;
	p0 =	seq.s32 s7, s2  }
0x1e: {  	s7 =	smul.u32 @!p0 $0xF7A, s2;
	p2 =	seq.s32 @!p0 s5, $0x0  }
0x1f: {  	s9 =	smul.u32 $0xF7A, s1;
	s8 =	simm.s32 @!p0 $0x1BF5;
	p2 =	por !p2, p0  }
0x20: {  	[sflag:s8] =	ssyncset.s32 @!p0 $0xFFFFF086;
	s6 =	sadd.s32 @!p0 s3, s7;
	s7 =	simm.s32 @!p0 $0x108  }
0x21: {  	s3 =	sadd.s32 s3, s9;
	s6 =	sadd.s32 @!p0 $0x88, s6;
	s7 =	simm.s32 @p2 $0x1082  }
0x22: {  	[simem:s7], [sflag:s8] =	dma.local @!p0 [hbm:s6], $0xF7A  }
0x23: {  	s9 =	sor.u32 $0xD0000000, s2;
	s6 =	simm.s32 $0x108;
	_ =	swait.ge @!p0 [sflag:s8], $0x0  }
0x24: {  	s3 =	sadd.s32 $0x88, s3;
	s6 =	simm.s32 @!p1 $0x1082;
	[sflag:s4] =	ssyncset.s32 $0xFFFFF086  }
0x25: {  	[simem:s6], [sflag:s4] =	dma.local [hbm:s3], $0xF7A  }
0x26: {  	[smem:$0x3F56] =	sst s1;
	(tag) =	ssettag s2;
	_ =	strace s9  }
0x27: {  	s1 =	sld [smem:$0x3F66]  }
0x28: {  	s2 =	sld [smem:$0x3F67]  }
0x29: {  	s4 =	sld [smem:$0x3F69]  }
0x2a: {  	p0 =	seq.s32 s5, $0x0;
	s5 =	sld [smem:$0x3F6A]  }
0x2b: {  	s6 =	sld [smem:$0x3F6B]  }
0x2c: {  	s7 =	sld [smem:$0x3F6C]  }
0x2d: {  	s3 =	simm.s32 $0x108;
	s8 =	sld [smem:$0x3F6D]  }
0x2e: {  	s3 =	simm.s32 @!p0 $0x1082;
	s9 =	sld [smem:$0x3F6E]  }
0x2f: {  	lr =	sadd.s32 s0, s3;
	s0 =	sld [smem:$0x3F65]  }
0x30: {  	s3 =	sld [smem:$0x3F68]  }
0x31: {  	[smem:$0x3F71] =	sst s10  }
0x32: {  	s10 =	sld [smem:$0x3F6F];
	_ =	sdelay $0x3  }
0x33: {  	p0 =	seq.s32 s10, $0x1;
	s10 =	sld [smem:$0x3F71];
	_ =	sdelay $0x3  }
0x34: {  	[smem:$0x3F71] =	sst s10  }
0x35: {  	s10 =	sld [smem:$0x3F70];
	_ =	sdelay $0x3  }
0x36: {  	p1 =	seq.s32 s10, $0x1;
	s10 =	sld [smem:$0x3F71];
	_ =	sdelay $0x3  }
0x37: {  	[smem:$0x3F71] =	sst s10  }
0x38: {  	s10 =	sld [smem:$0x3F72]  }
0x39: {  	_ = 	snop;
	(pc) =	sbr.ind lr, $3  }
0x3a: {  	_ = 	snop  }
0x3b: {  	_ = 	snop  }
0x3c: {  	p2 =	seq.s32 s10, $0x1;
	s10 =	sld [smem:$0x3F71]  }
0x3d: {  	_ =	shalt  }
0x3e: {  	_ =	shalt  }
0x3f: {  	_ =	shalt  }
0x40: {  	_ =	shalt  }
0x41: {  	_ =	shalt  }
0x42: {  	_ =	shalt  }
0x43: {  	_ =	shalt  }
0x44: {  	_ =	shalt  }
0x45: {  	_ =	shalt  }
0x46: {  	_ =	shalt  }
0x47: {  	_ =	shalt  }
0x48: {  	_ =	shalt  }
0x49: {  	_ =	shalt  }
0x4a: {  	_ =	shalt  }
0x4b: {  	_ =	shalt  }
0x4c: {  	_ =	shalt  }
0x4d: {  	_ =	shalt  }
0x4e: {  	_ =	shalt  }
0x4f: {  	_ =	shalt  }
0x50: {  	_ =	shalt  }
0x51: {  	_ =	shalt  }
0x52: {  	_ =	shalt  }
0x53: {  	_ =	shalt  }
0x54: {  	_ =	shalt  }
0x55: {  	_ =	shalt  }
0x56: {  	_ =	shalt  }
0x57: {  	_ =	shalt  }
0x58: {  	_ =	shalt  }
0x59: {  	_ =	shalt  }
0x5a: {  	_ =	shalt  }
0x5b: {  	_ =	shalt  }
0x5c: {  	_ =	shalt  }
0x5d: {  	_ =	shalt  }
0x5e: {  	_ =	shalt  }
0x5f: {  	_ =	shalt  }
0x60: {  	_ =	shalt  }
0x61: {  	_ =	shalt  }
0x62: {  	_ =	shalt  }
0x63: {  	_ =	shalt  }
0x64: {  	_ =	shalt  }
0x65: {  	_ =	shalt  }
0x66: {  	_ =	shalt  }
0x67: {  	_ =	shalt  }
0x68: {  	_ =	shalt  }
0x69: {  	_ =	shalt  }
0x6a: {  	_ =	shalt  }
0x6b: {  	_ =	shalt  }
0x6c: {  	_ =	shalt  }
0x6d: {  	_ =	shalt  }
0x6e: {  	_ =	shalt  }
0x6f: {  	_ =	shalt  }
0x70: {  	_ =	shalt  }
0x71: {  	_ =	shalt  }
0x72: {  	_ =	shalt  }
0x73: {  	_ =	shalt  }
0x74: {  	_ =	shalt  }
0x75: {  	_ =	shalt  }
0x76: {  	_ =	shalt  }
0x77: {  	_ =	shalt  }
0x78: {  	_ =	shalt  }
0x79: {  	_ =	shalt  }
0x7a: {  	_ =	shalt  }
0x7b: {  	_ =	shalt  }
0x7c: {  	_ =	shalt  }
0x7d: {  	_ =	shalt  }
0x7e: {  	_ =	shalt  }
0x7f: {  	_ =	shalt  }
0x80: {  	_ =	shalt  }
0x81: {  	_ =	shalt  }
0x82: {  	_ =	shalt  }
0x83: {  	_ =	shalt  }
0x84: {  	_ =	shalt  }
0x85: {  	_ =	shalt  }
0x86: {  	_ =	shalt  }
0x87: {  	_ =	shalt  }
.Lfunc_end0:
.L_simem_size_0:
called_computation.2_lowered:
.L_overlay_start_0:
0x88: {  	s2 =	sld [smem:$0x3FD9]  }
0x89: {  	s3 =	sld [smem:$0x3FFE];
	_ =	sdelay $0x1  }
0x8a: {  	s1 =	srdreg.scid  }
0x8b: {  	s0 =	sand.u32 $0x1, s1  }
0x8c: {  	s14 =	sshll.u32 s0, $0xA;
	s2 =	sadd.s32 s3, s2  }
0x8d: {  	s2 =	sadd.s32 s2, s14  }
0x8e: {  	[smem:$0x3F7D] =	sst s2  }
0x8f: {  	_ = 	snop  }
0x90: {  	s2 =	sld [smem:$0x3FD0];
	_ =	sdelay $0x2  }
0x91: {  	s15 =	simm.s32 $0xB;
	s4 =	simm.s32 $0x10  }
0x92: {  	[smem:s4], [sflag:s15] =	dma.local [hbm:s2], $0x1  }
0x93: {  	_ =	swait.eq [sflag:s15], $0x1  }
0x94: {  	[sflag:s15] =	ssyncset.done $0x0  }
0x95: {  	[sflag:s15] =	ssyncadd.s32 $0xFFFFFFFF  }
0x96: {  	s16 =	sld [smem:$0x12];
	(tm) =	ssettm $0x1  }
0x97: {  	s17 =	sld [smem:$0x3FFB];
	_ =	sdelay $0x3  }
0x98: {  	_ =	strace s17  }
0x99: {  	s3 =	sld [smem:$0x3FFC];
	_ =	sdelay $0x3  }
0x9a: {  	_ =	strace s3  }
0x9b: {  	s3 =	sld [smem:$0x3FFD];
	_ =	sdelay $0x3  }
0x9c: {  	_ =	strace s3  }
0x9d: {  	_ =	strace $0x8FFFFFFF  }
0x9e: {  	s18 =	sld [smem:$0x3FDB];
	_ =	sdelay $0x1  }
0x9f: {  	s19 =	simm.s32 $_scs_section_size  }
0xa0: {  	s5 =	simm.s32 $_size__tile_overlayer_lowered;
	s6 =	simm.s32 $_tile_overlayer_lowered  }
0xa1: {  	s22 =	simm.s32 $0x1BFF;
	s21 =	sshll.u32 s6, $0x1;
	s3 =	sadd.s32 s19, s18  }
0xa2: {  	s7 =	simm.s32 $0x0;
	s20 =	sshll.u32 s5, $0x1;
	s5 =	sadd.s32 s21, s3  }
0xa3: {  	[timem:s7], [sflag:s22] =	dma.local [hbm:s5], s20  }
0xa4: {  	_ =	swait.ge [sflag:s22], s20  }
0xa5: {  	s4 =	ssub.s32 $0x0, s20;
	[sflag:s22] =	ssyncset.done $0x0  }
0xa6: {  	[sflag:s22] =	ssyncadd.s32 s4;
	_ =	sdelay $0x1  }
0xa7: {  	s23 =	simm.s32 $0x1B8B  }
0xa8: {  	_ =	swait.ge [sflag:s23], $0x1  }
0xa9: {  	[sflag:s23] =	ssyncset.done $0x0  }
0xaa: {  	s25 =	simm.s32 $0x1B8E;
	s24 =	sld [smem:$0x3FFE];
	[sflag:s23] =	ssyncadd.s32 $0xFFFFFFFF  }
0xab: {  	s26 =	simm.s32 $execute0_lowered;
	[smem:$0x3FD2] =	sst s25  }
0xac: {  	s5 =	sshll.u32 s26, $0x1;
	_ =	strace $0x80000046;
	[dreg:$0x1] =	wrdreg $0xFFFFFFFF  }
0xad: {  	s28 =	simm.s32 $_size_execute0_lowered;
	s3 =	sadd.s32 s3, s5;
	[dreg:$0x0] =	wrdreg $0x0  }
0xae: {  	s5 =	sshll.u32 s28, $0x1;
	[dreg:$0x2] =	wrdreg s3  }
0xaf: {  	[dreg:$0x3] =	wrdreg s5  }
0xb0: {  	[dreg:$0x4] =	wrdreg $0xC0  }
0xb1: {  	_ =	task [dreg:s7], $0x5FFFF  }
0xb2: {  	[dreg:$0x1] =	wrdreg $0xFFFFFFFF  }
0xb3: {  	[dreg:$0x0] =	wrdreg $0x60  }
0xb4: {  	[dreg:$0x2] =	wrdreg s16  }
0xb5: {  	[dreg:$0x3] =	wrdreg s24  }
0xb6: {  	[dreg:$0x4] =	wrdreg $0xA  }
0xb7: {  	_ =	task.clear_ibuf [dreg:s7], $0x5FFFF;
	_ =	strace $0x90000046  }
0xb8: {  	s29 =	simm.s32 $0xA;
	_ =	strace $0x80000048  }
0xb9: {  	_ =	swait.ge [sflag:s29], $0x1  }
0xba: {  	[sflag:s29] =	ssyncadd.s32 $0xFFFFFFFF  }
0xbb: {  	_ =	strace $0x90000048  }
0xbc: {  	_ =	sfence  }
0xbd: {  	s30 =	sld [smem:$0x0];
	_ =	sdelay $0x2  }
0xbe: {  	s31 =	sshll.u32 s1, $0xD;
	s1 =	sshrl.u32 s1, $0x2  }
0xbf: {  	s3 =	sand.u32 $0x4000, s31;
	s1 =	sadd.s32 s1, s30  }
0xc0: {  	s0 =	sor.u32 s3, s0;
	s1 =	sshll.u32 s1, $0x11  }
0xc1: {  	s0 =	sor.u32 s1, s0  }
0xc2: {  	s0 =	sadd.s32 $0x8F2B, s0  }
0xc3: {  	[sflag:s0] =	ssyncadd.remote.s32 $0x1  }
0xc4: {  	_ =	sfence.sel $0xFFFF  }
0xc5: {  	[dreg:$0x0] =	wrdreg $0xFFFFFFFF;
	(pc) =	sbr.abs _section_cstart, $3  }
0xc6: {  	[dreg:$0x1] =	wrdreg $0xFFFFFFFF  }
0xc7: {  	_ =	task.clear_ibuf [dreg:s7], $0x2FFFF;
	_ =	strace $0x9FFFFFFF  }
0xc8: {  	(tm) =	ssettm $0x7FFFFFFF  }
0xc9: {  	_ =	shalt  }
tec
execute0_lowered:
.L_overlay_start_1:
0x0: {  	(tag) =	ssettag $0x1  }
0x1: {  	s1 =	srdreg.scid;
	s2 =	rddreg [dreg:$0x0]  }
0x2: {  	s0 =	stileid.u32;
	s5 =	rddreg [dreg:$0x1];
	s6 =	simm.s32 $0x1  }
0x3: {  	s9 =	simm.s32 $0x1;
	s10 =	simm.s32 $0x3;
	s1 =	sshll.u32 s1, $0x9  }
0x4: {  	s13 =	simm.s32 $0x0;
	s3 =	sshll.u32 s0, $0xA;
	s4 =	sand.u32 $0x200, s1  }
0x5: {  	s12 =	simm.s32 $0x0;
	s1 =	rddreg [dreg:$0x2];
	s3 =	sor.u32 s3, s4  }
0x6: {  	_ =	strace $0x80000047;
	s4 =	sadd.s32 $0xB600, s5;
	s8 =	ssub.s32 $0x4800, s3  }
.Ltmp0:
0x7: {  	s5 =	sadd.s32 $0xC000, s5;
	s7 =	sand.u32 $0x3E00, s8;
	(pc) =	sbr.rel .LBB2_1-.Ltmp0, $4  }
0x8: {  	[sflag:s6] =	ssyncpa.u1 $0x0;
	s11 =	smov.u32 s3;
	p0 =	sne.s32 s7, $0x0  }
0x9: {  	s8 =	sshrl.u32 s8, $0xE;
	s7 =	simm.s32 $0x2;
	s9 =	simm.s32 @!p0 $0x0  }
0xa: {  	[sflag:s7] =	ssyncpa.u1 $0x0;
	p0 =	por $0x0, $0x0;
	s8 =	sadd.s32 s9, s8  }
0xb: {  	vm0 =	vmmov $0xffff;
	[sflag:s10] =	ssyncpa.u1 $0x0;
	s10 =	simm.s32 $0x0;
	s9 =	sadd.s32 $0x1, s8  }
.LBB2_4:
0xc: {  	v2 =	vnsel vm1, $0x0, v2  }
0xd: {  	vm1 =	vgt.s32 v0, $0x0;
	v2 =	vmin.u32 v2, $0x3FFF  }
0xe: {  	v0 =	vnsel vm1, $0x0, v0  }
0xf: {  	v0 =	vmin.u32 v0, $0x3FFF  }
0x10: {  	[tilespmem:s15], [sflag:$0x1] =	stream.indirect_vreg.gather [hbm4b:s2+s10], $0x1, v1, vm0, $0x4038;
	[tilespmem:$0x800] =	vst v63  }
0x11: {  	(ifvalue) =	ssetifvalue $0x7FFFFFFF  }
0x12: {  	[tilespmem:s16], [sflag:$0x1] =	stream.indirect_vreg.gather [hbm4b:s2+s10], $0x1, v2, vm0, $0x4038;
	[tilespmem:$0x800] =	vst v63  }
0x13: {  	s29 =	sadd.s32 $0x10, s16;
	(ifvalue) =	ssetifvalue $0x7FFFFFFF  }
0x14: {  	[tilespmem:s29], [sflag:$0x1] =	stream.indirect_vreg.gather [hbm4b:s2+s10], $0x1, v0, vm0, $0x4038;
	[tilespmem:$0x800] =	vst v63  }
0x15: {  	_ =	swait.ge [sflag:s6], $0x200  }
0x16: {  	s30 =	sshrl.u32 s13, $0x3;
	[sflag:s6] =	ssyncset.done $0x0  }
0x17: {  	s31 =	sand.u32 $0x7, s13;
	s15 =	sadd.s32 s5, s30;
	[sflag:s6] =	ssyncadd.s32 $0xFFFFFE00  }
0x18: {  	[hbm4b:s15+s31] =	stream.linear.scatter [tilespmem:s14], [sflag:$0x3], $0x200, $0x38;
	[tilespmem:$0x800] =	vst v63  }
.LBB2_5:
0x19: {  	s15 =	sadd.s32 $0x4000, s11  }
0x1a: {  	p2 =	sgt.s32 s15, $0x47FF  }
0x1b: {  	s15 =	smov.u32 @p2 s3;
	p2 =	sne.s32 s12, s9  }
.Ltmp1:
0x1c: {  	p1 =	slt.u32 s12, $0x2;
	(pc) =	sbr.rel @!p2 .LBB2_6-.Ltmp1, $4  }
0x1d: {  	s14 =	simm.s32 @!p1 $0x3  }
0x1e: {  	s16 =	sadd.s32 $0x1, s12;
	_ =	swait.ge @!p1 [sflag:s14], $0x200  }
0x1f: {  	s13 =	smov.u32 s11;
	p0 =	por !p0, !p0;
	[sflag:s14] =	ssyncset.done @!p1 $0x0  }
0x20: {  	s12 =	smov.u32 s16;
	s11 =	smov.u32 s15;
	[sflag:s14] =	ssyncadd.s32 @!p1 $0xFFFFFE00  }
.LBB2_1:
0x21: {  	p1 =	sge.u32 s12, s8  }
0x22: {  	s14 =	sxor.u32 @!p1 $0xFFFFFFFF, s12  }
0x23: {  	s31 =	sadd.s32 $0xFFFFFFFF, s12;
	s15 =	sshrl.u32 @!p1 s11, $0x3;
	s14 =	sshll.u32 @!p1 s14, $0x9  }
0x24: {  	s16 =	sand.u32 @!p1 $0x7, s11;
	s15 =	sadd.s32 @!p1 s4, s15;
	s14 =	sand.u32 @!p1 $0x200, s14  }
0x25: {  	[tilespmem:s14], [sflag:$0x2] =	stream.linear.gather @!p1 [hbm4b:s15+s16], $0x200, $0x38;
	[tilespmem:$0x800] =	vst v63  }
0x26: {  	p1 =	sge.u32 s31, s8  }
.Ltmp2:
0x27: {  	_ = 	snop;
	(pc) =	sbr.rel @p1 .LBB2_5-.Ltmp2, $1  }
0x28: {  	_ =	sdelay $0x3  }
0x29: {  	s14 =	simm.s32 $0x1  }
0x2a: {  	_ =	swait.ge [sflag:s7], $0x200;
	s14 =	simm.s32 @!p0 $0x0  }
0x2b: {  	[sflag:s7] =	ssyncset.done $0x0;
	s14 =	sshll.u32 s14, $0x9  }
0x2c: {  	[sflag:s7] =	ssyncadd.s32 $0xFFFFFE00;
	(ifvalue) =	ssetifvalue $0x7FFFFFFF;
	v0 =	vld.msk [tilespmem:s14+$0x0 ss:$0x1], $0xffff;
	_ =	sdelay $0x4  }
0x2d: {  	s15 =	sadd.s32 $0x10, s14;
	vm1 =	vgt.s32 v0, $0x0  }
0x2e: {  	v2 =	vld.msk [tilespmem:s15+$0x0 ss:$0x1], $0xffff;
	v1 =	vnsel vm1, $0x0, v0  }
0x2f: {  	v1 =	vmin.u32 v1, $0x3FFF;
	_ =	sdelay $0x1  }
0x30: {  	s16 =	sshll.u32 s12, $0x9;
	s18 =	simm.s32 $0x20  }
0x31: {  	s16 =	sand.u32 $0x200, s16;
	s17 =	sadd.s32 $0x10, s15;
	s15 =	sor.u32 $0x400, s14  }
0x32: {  	s14 =	sor.u32 $0x400, s16;
	s16 =	sadd.s32 $0x10, s15;
	v0 =	vld.msk [tilespmem:s17+$0x0 ss:$0x1], $0xffff;
	vm1 =	vgt.s32 v2, $0x0;
	(ifvalue) =	ssetifvalue $0x7FFFFFFF  }
.LBB2_3:
0x33: {  	[tilespmem:s15], [sflag:$0x1] =	stream.indirect_vreg.gather [hbm4b:s2+s10], $0x1, v1, vm0, $0x4038;
	[tilespmem:$0x800] =	vst v63  }
0x34: {  	s18 =	sadd.s32 $0x10, s18  }
0x35: {  	v2 =	vnsel vm1, $0x0, v2;
	p1 =	slt.u32 s18, $0x1F0  }
.Ltmp3:
0x36: {  	s15 =	smov.u32 s16;
	v1 =	vmin.u32 v2, $0x3FFF;
	(pc) =	sbr.rel @p1 .LBB2_3-.Ltmp3, $3  }
0x37: {  	_ =	sdelay $0x1  }
0x38: {  	s17 =	sadd.s32 $0x10, s17  }
0x39: {  	vm1 =	vgt.s32 v0, $0x0;
	s16 =	sadd.s32 $0x10, s16;
	v2 =	vmov v0;
	(ifvalue) =	ssetifvalue $0x7FFFFFFF;
	v0 =	vld.msk [tilespmem:s17+$0x0 ss:$0x1], $0xffff  }
.Ltmp4:
0x3a: {  	_ = 	snop;
	(pc) =	sbr.rel .LBB2_4-.Ltmp4, $1  }
0x3b: {  	_ =	sdelay $0x3  }
.LBB2_6:
0x3c: {  	_ =	sfence.sel $0x180000  }
0x3d: {  	s2 =	simm.s32 $0x2;
	[bflag:$0x0] =	sbarrier.arrive $0xFFFF  }
0x3e: {  	s30 =	simm.s32 $0x3;
	[sflag:s2] =	ssyncpa.u1 $0x1  }
0x3f: {  	s31 =	simm.s32 $0x1;
	[sflag:s30] =	ssyncpa.u1 $0x1  }
0x40: {  	[sflag:s31] =	ssyncpa.u1 $0x1  }
0x41: {  	p0 =	sne.s32 s0, $0x0;
	_ =	strace $0x90000047  }
0x42: {  	s0 =	sadd.s32 @!p0 $0x100000, s1;
	[bflag:$0x2] =	sbarrier.arrive $0xFFFF  }
0x43: {  	[sflag:s0] =	ssyncadd.tile.s32 @!p0 $0x1;
	_ =	shalt  }
.Lfunc_end2:
_tile_overlayer_lowered:
.L_overlay_start_2:
0x44: {  	(tag) =	ssettag $0x2  }
0x45: {  	s0 =	rddreg [dreg:$0x0];
	s2 =	stileid.u32  }
0x46: {  	s1 =	rddreg [dreg:$0x1];
	p0 =	sne.s32 s2, $0x0  }
0x47: {  	s3 =	rddreg [dreg:$0x2];
	[bflag:$0x3] =	sbarrier.arrive $0xFFFF;
	s2 =	simm.s32 @!p0 $0x1C01  }
0x48: {  	[timem:s3], [sflag:s2] =	dma.local @!p0 [hbm:s0], s1  }
0x49: {  	s0 =	simm.s32 @!p0 $0x1  }
0x4a: {  	_ =	swait.ge @!p0 [sflag:s0], s1  }
0x4b: {  	s1 =	ssub.s32 @!p0 $0x0, s1;
	[sflag:s0] =	ssyncset.done @!p0 $0x0  }
0x4c: {  	[sflag:s0] =	ssyncadd.s32 @!p0 s1  }
0x4d: {  	[bflag:$0x3] =	sbarrier.arrive $0xFFFF  }
0x4e: {  	_ =	shalt  }

// kernel: sparse-core-data-format-call.1.cloned.1.call-start
scs
called_computation.1_lowered:
.L_overlay_start_0:
0x0: {  	s2 =	sld [smem:$0x3FD9]  }
0x1: {  	s3 =	sld [smem:$0x3FFE];
	_ =	sdelay $0x1  }
0x2: {  	s1 =	srdreg.scid  }
0x3: {  	s0 =	sand.u32 $0x1, s1  }
0x4: {  	s18 =	sshll.u32 s0, $0xA;
	s2 =	sadd.s32 s3, s2  }
0x5: {  	s2 =	sadd.s32 s2, s18  }
0x6: {  	[smem:$0x3F7D] =	sst s2  }
0x7: {  	_ = 	snop  }
0x8: {  	(tm) =	ssettm $0x1  }
0x9: {  	s19 =	sld [smem:$0x3FFB];
	_ =	sdelay $0x3  }
0xa: {  	_ =	strace s19  }
0xb: {  	s2 =	sld [smem:$0x3FFC];
	_ =	sdelay $0x3  }
0xc: {  	_ =	strace s2  }
0xd: {  	s2 =	sld [smem:$0x3FFD];
	_ =	sdelay $0x3  }
0xe: {  	_ =	strace s2  }
0xf: {  	_ =	strace $0x8FFFFFFF  }
0x10: {  	s20 =	sld [smem:$0x3FDB];
	_ =	sdelay $0x1  }
0x11: {  	s21 =	simm.s32 $_scs_section_size  }
0x12: {  	s4 =	simm.s32 $_size__tile_overlayer_lowered;
	s5 =	simm.s32 $_tile_overlayer_lowered  }
0x13: {  	s6 =	simm.s32 $0x1BFF;
	s22 =	sshll.u32 s5, $0x1;
	s3 =	sadd.s32 s21, s20  }
0x14: {  	s23 =	simm.s32 $0x0;
	s4 =	sshll.u32 s4, $0x1;
	s5 =	sadd.s32 s22, s3  }
0x15: {  	[timem:s23], [sflag:s6] =	dma.local [hbm:s5], s4  }
0x16: {  	_ =	swait.ge [sflag:s6], s4  }
0x17: {  	s4 =	ssub.s32 $0x0, s4;
	[sflag:s6] =	ssyncset.done $0x0  }
0x18: {  	[sflag:s6] =	ssyncadd.s32 s4;
	_ =	sdelay $0x1  }
0x19: {  	s24 =	simm.s32 $0x1B8B  }
0x1a: {  	_ =	swait.ge [sflag:s24], $0x1  }
0x1b: {  	[sflag:s24] =	ssyncset.done $0x0  }
0x1c: {  	[sflag:s24] =	ssyncadd.s32 $0xFFFFFFFF  }
0x1d: {  	s4 =	sld [smem:$0x0]  }
0x1e: {  	s5 =	sand.u32 $0xFFFFFFFE, s1  }
0x1f: {  	p0 =	sne.s32 s1, s5  }
0x20: {  	s5 =	sshll.u32 @p0 s5, $0xE  }
0x21: {  	s5 =	sadd.s32 @p0 $0x11B8D, s5;
	s6 =	sshll.u32 @p0 s4, $0x11  }
0x22: {  	s5 =	sor.u32 @p0 s6, s5  }
0x23: {  	[sflag:s5] =	ssyncadd.remote.s32 @p0 $0x1;
	_ =	sdelay $0x1  }
0x24: {  	s5 =	simm.s32 @p0 $0x1B8D  }
0x25: {  	_ =	swait.eq @p0 [sflag:s5], $0x1  }
0x26: {  	[sflag:s5] =	ssyncadd.s32 @p0 $0xFFFFFFFF  }
0x27: {  	s6 =	sshll.u32 @!p0 s1, $0xE  }
0x28: {  	s6 =	sor.u32 @!p0 $0x4000, s6;
	s5 =	simm.s32 @!p0 $0x1B8D  }
0x29: {  	s4 =	sshll.u32 @!p0 s4, $0x11;
	s6 =	sadd.s32 @!p0 $0x11B8D, s6;
	_ =	swait.eq @!p0 [sflag:s5], $0x1  }
0x2a: {  	s4 =	sor.u32 @!p0 s4, s6;
	[sflag:s5] =	ssyncadd.s32 @!p0 $0xFFFFFFFF  }
0x2b: {  	s26 =	simm.s32 $0x1B8E;
	s25 =	sld [smem:$0x3FFE];
	[sflag:s4] =	ssyncadd.remote.s32 @!p0 $0x1  }
0x2c: {  	s27 =	simm.s32 $execute0_lowered;
	[smem:$0x3FD2] =	sst s26  }
0x2d: {  	s5 =	sshll.u32 s27, $0x1;
	_ =	strace $0x80000049;
	[dreg:$0x1] =	wrdreg $0xFFFFFFFF  }
0x2e: {  	s28 =	simm.s32 $_size_execute0_lowered;
	s3 =	sadd.s32 s3, s5;
	[dreg:$0x0] =	wrdreg $0x0  }
0x2f: {  	s5 =	sshll.u32 s28, $0x1;
	[dreg:$0x2] =	wrdreg s3  }
0x30: {  	[dreg:$0x3] =	wrdreg s5  }
0x31: {  	[dreg:$0x4] =	wrdreg $0xC0  }
0x32: {  	_ =	task [dreg:s23], $0x5FFFF  }
0x33: {  	[dreg:$0x1] =	wrdreg $0xFFFFFFFF  }
0x34: {  	[dreg:$0x0] =	wrdreg $0x60  }
0x35: {  	[dreg:$0x2] =	wrdreg s25  }
0x36: {  	[dreg:$0x3] =	wrdreg $0x9  }
0x37: {  	_ =	task.clear_ibuf [dreg:s23], $0x4FFFF;
	_ =	strace $0x90000049  }
0x38: {  	s29 =	simm.s32 $0x9;
	_ =	strace $0x8000004B  }
0x39: {  	_ =	swait.ge [sflag:s29], $0x1  }
0x3a: {  	[sflag:s29] =	ssyncadd.s32 $0xFFFFFFFF  }
0x3b: {  	_ =	strace $0x9000004B  }
0x3c: {  	_ =	sfence  }
0x3d: {  	s30 =	sld [smem:$0x0];
	_ =	sdelay $0x2  }
0x3e: {  	s31 =	sshll.u32 s1, $0xD;
	s1 =	sshrl.u32 s1, $0x2  }
0x3f: {  	s4 =	sand.u32 $0x4000, s31;
	s1 =	sadd.s32 s1, s30  }
0x40: {  	s0 =	sor.u32 s4, s0;
	s1 =	sshll.u32 s1, $0x11  }
0x41: {  	s0 =	sor.u32 s1, s0  }
0x42: {  	s0 =	sadd.s32 $0x8F2B, s0  }
0x43: {  	[sflag:s0] =	ssyncadd.remote.s32 $0x1  }
0x44: {  	_ =	sfence.sel $0xFFFF  }
0x45: {  	[dreg:$0x0] =	wrdreg $0xFFFFFFFF;
	(pc) =	sbr.abs _section_cstart, $3  }
0x46: {  	[dreg:$0x1] =	wrdreg $0xFFFFFFFF  }
0x47: {  	_ =	task.clear_ibuf [dreg:s23], $0x2FFFF;
	_ =	strace $0x9FFFFFFF  }
0x48: {  	(tm) =	ssettm $0x7FFFFFFF  }
0x49: {  	_ =	shalt  }
tec
execute0_lowered:
.L_overlay_start_1:
0x0: {  	(tag) =	ssettag $0x1  }
0x1: {  	s0 =	srdreg.scid  }
0x2: {  	s1 =	sshll.u32 s0, $0x4  }
0x3: {  	s6 =	rddreg [dreg:$0x0];
	s0 =	stileid.u32;
	s1 =	sand.u32 $0x10, s1  }
0x4: {  	s5 =	simm.s32 $0x1;
	s31 =	simm.s32 $0x2;
	s1 =	sor.u32 s0, s1  }
0x5: {  	s13 =	simm.s32 $0x0;
	s8 =	simm.s32 $0x20000;
	s2 =	sshll.u32 s1, $0x7  }
0x6: {  	s12 =	simm.s32 $0x0;
	s9 =	simm.s32 $0x0;
	s3 =	ssub.s32 $0x4000, s2  }
0x7: {  	s11 =	simm.s32 $0x0;
	s1 =	rddreg [dreg:$0x1];
	s4 =	sand.u32 $0xF80, s3  }
.Ltmp0:
0x8: {  	_ =	strace $0x8000004A;
	p0 =	sne.s32 s4, $0x0;
	(pc) =	sbr.rel .LBB1_1-.Ltmp0, $4  }
0x9: {  	s10 =	smov.u32 s2;
	s7 =	sshrl.u32 s3, $0xC;
	s5 =	simm.s32 @!p0 $0x0  }
0xa: {  	s3 =	sadd.s32 $0x10F800, s6;
	s4 =	simm.s32 $0x1;
	s5 =	sadd.s32 s5, s7  }
0xb: {  	s6 =	sadd.s32 $0x20F800, s6;
	[sflag:s4] =	ssyncpa.u1 $0x0;
	s5 =	sshll.u32 s5, $0x2  }
0xc: {  	p0 =	por $0x0, $0x0;
	[sflag:s31] =	ssyncpa.u1 $0x0;
	s7 =	sor.u32 $0x1, s5  }
.LBB1_4:
0xd: {  	v5 =	vld [tilespmem:s16+$0xFFFFFFD0]  }
0xe: {  	[tilespmem:s17+$0x2040 ss:$0x81] =	vst.msk $0xffff, v1;
	v58 =	vld [tilespmem:s16+$0xFFFFFFE0]  }
0xf: {  	[tilespmem:s17+$0x2850 ss:$0x81] =	vst.msk $0xffff, v2;
	v59 =	vld [tilespmem:s16+$0xFFFFFFF0]  }
0x10: {  	s18 =	sshra.s32 s18, $0x2;
	[tilespmem:s17+$0x3060 ss:$0x81] =	vst.msk $0xffff, v3;
	v60 =	vld [tilespmem:s16+$0x0]  }
0x11: {  	[tilespmem:s17+$0x0 ss:$0x81] =	vst.msk $0xffff, v0;
	v61 =	vld [tilespmem:s16+$0x10];
	s15 =	sadd.s32 s18, s15  }
0x12: {  	s26 =	sshll.u32 s13, $0xE;
	v62 =	vld [tilespmem:s16+$0x20];
	[tilespmem:s15+$0x3870 ss:$0x81] =	vst.msk $0xffff, v4  }
0x13: {  	s27 =	sand.u32 $0x78, s12;
	s19 =	sshll.u32 s12, $0x3;
	v63 =	vld [tilespmem:s16+$0xFFFFFFC0];
	s29 =	sshll.u32 s13, $0x7;
	[tilespmem:s15+$0x810 ss:$0x81] =	vst.msk $0xffff, v5  }
0x14: {  	s17 =	sand.u32 $0x7E0000, s26;
	s28 =	sand.u32 $0x7FFC00, s19;
	s19 =	sand.u32 $0x3C00, s19;
	[tilespmem:s15+$0x1020 ss:$0x81] =	vst.msk $0xffff, v58  }
0x15: {  	s13 =	sand.u32 $0x380, s29;
	s16 =	sadd.s32 s28, s17;
	s30 =	sor.u32 s27, s19;
	[tilespmem:s15+$0x1830 ss:$0x81] =	vst.msk $0xffff, v59  }
0x16: {  	s16 =	sand.u32 $0x7FC000, s16;
	s13 =	sor.u32 s13, s30;
	[tilespmem:s15+$0x2040 ss:$0x81] =	vst.msk $0xffff, v60  }
0x17: {  	s31 =	sand.u32 $0x7, s12;
	s13 =	sor.u32 s16, s13;
	[tilespmem:s15+$0x2850 ss:$0x81] =	vst.msk $0xffff, v61  }
0x18: {  	s12 =	sshll.u32 s31, $0x12;
	[tilespmem:s15+$0x3060 ss:$0x81] =	vst.msk $0xffff, v62;
	s13 =	sshrl.u32 s13, $0x3  }
0x19: {  	s12 =	sor.u32 $0x400, s12;
	[tilespmem:s15+$0x0 ss:$0x81] =	vst.msk $0xffff, v63;
	s13 =	sadd.s32 s6, s13  }
0x1a: {  	[hbm4b:s13+s12] =	stream.strided.scatter [tilespmem:s14], [sflag:$0x2], $0x4000, s8, s12, $0x20;
	[tilespmem:$0x10100] =	vst v63  }
.LBB1_5:
0x1b: {  	s14 =	sadd.s32 $0x80, s9  }
0x1c: {  	s12 =	sadd.s32 $0x1000, s10;
	s16 =	smov.u32 s10;
	p2 =	sgt.s32 s14, $0x1FF  }
0x1d: {  	s16 =	smov.u32 @p2 s12  }
0x1e: {  	s14 =	simm.s32 @p2 $0x0;
	p2 =	sgt.s32 s16, $0x3FFF  }
0x1f: {  	s16 =	smov.u32 @p2 s2;
	p2 =	sne.s32 s11, s7  }
.Ltmp1:
0x20: {  	p1 =	slt.u32 s11, $0x2;
	(pc) =	sbr.rel @!p2 .LBB1_6-.Ltmp1, $4  }
0x21: {  	s15 =	simm.s32 @!p1 $0x2  }
0x22: {  	s13 =	smov.u32 s9;
	p0 =	por !p0, !p0;
	_ =	swait.ge @!p1 [sflag:s15], $0x4000  }
0x23: {  	s12 =	smov.u32 s10;
	[sflag:s15] =	ssyncset.done @!p1 $0x0;
	s9 =	smov.u32 s14  }
0x24: {  	s11 =	sadd.s32 $0x1, s11;
	[sflag:s15] =	ssyncadd.s32 @!p1 $0xFFFFC000;
	s10 =	smov.u32 s16  }
.LBB1_1:
0x25: {  	p1 =	sge.u32 s11, s5  }
0x26: {  	s31 =	sadd.s32 $0xFFFFFFFF, s11;
	s14 =	sshll.u32 @!p1 s10, $0x9  }
0x27: {  	s15 =	sshll.u32 @!p1 s9, $0x3;
	s16 =	sshll.u32 @!p1 s10, $0x7;
	s14 =	sand.u32 @!p1 $0x7FF000, s14  }
0x28: {  	s17 =	sand.u32 @!p1 $0x78, s9;
	s14 =	sadd.s32 @!p1 s14, s15;
	s15 =	sand.u32 @!p1 $0x380, s16  }
0x29: {  	s16 =	sxor.u32 @!p1 $0xFFFFFFFF, s11;
	s14 =	sand.u32 @!p1 $0x7FFC00, s14;
	s15 =	sor.u32 @!p1 s15, s17  }
0x2a: {  	s16 =	sshll.u32 @!p1 s16, $0xE;
	s14 =	sor.u32 @!p1 s14, s15;
	s15 =	sand.u32 @!p1 $0x7, s9  }
0x2b: {  	s17 =	simm.s32 @!p1 $0x1000;
	s14 =	sshrl.u32 @!p1 s14, $0x3;
	s15 =	sshll.u32 @!p1 s15, $0x12  }
0x2c: {  	s16 =	sand.u32 @!p1 $0x4000, s16;
	s14 =	sadd.s32 @!p1 s3, s14;
	s15 =	sor.u32 @!p1 $0x400, s15  }
0x2d: {  	[tilespmem:s16], [sflag:$0x1] =	stream.strided.gather @!p1 [hbm4b:s14+s15], $0x4000, s17, s15, $0x38;
	[tilespmem:$0x10100] =	vst v63  }
0x2e: {  	p1 =	sge.u32 s31, s5  }
.Ltmp2:
0x2f: {  	_ = 	snop;
	(pc) =	sbr.rel @p1 .LBB1_5-.Ltmp2, $1  }
0x30: {  	_ =	sdelay $0x3  }
0x31: {  	s14 =	simm.s32 $0x1  }
0x32: {  	_ =	swait.ge [sflag:s4], $0x4000;
	s14 =	simm.s32 @!p0 $0x0  }
0x33: {  	[sflag:s4] =	ssyncset.done $0x0;
	s15 =	sshll.u32 s14, $0xE  }
0x34: {  	[sflag:s4] =	ssyncadd.s32 $0xFFFFC000;
	s16 =	sor.u32 $0x40, s15  }
0x35: {  	s14 =	smul.u32 $0x10200, s14;
	v0 =	vld [tilespmem:s16+$0x30]  }
0x36: {  	v3 =	vld [tilespmem:s16+$0xFFFFFFD0]  }
0x37: {  	s14 =	sshrl.u32 s14, $0x2;
	v4 =	vld [tilespmem:s16+$0xFFFFFFE0]  }
0x38: {  	v5 =	vld [tilespmem:s16+$0xFFFFFFF0];
	s15 =	sor.u32 $0x8000, s14  }
0x39: {  	s31 =	sand.u32 $0x1, s11;
	v1 =	vld [tilespmem:s16+$0x0];
	s17 =	sadd.s32 $0x0, s15  }
0x3a: {  	v2 =	vld [tilespmem:s16+$0x10];
	s14 =	smul.u32 $0x10200, s31;
	[tilespmem:s17+$0x3870 ss:$0x81] =	vst.msk $0xffff, v0  }
0x3b: {  	[tilespmem:s17+$0x810 ss:$0x81] =	vst.msk $0xffff, v3;
	v3 =	vld [tilespmem:s16+$0x20]  }
0x3c: {  	s14 =	sshrl.u32 s14, $0x2;
	v0 =	vld [tilespmem:s16+$0xFFFFFFC0];
	[tilespmem:s17+$0x1020 ss:$0x81] =	vst.msk $0xffff, v4;
	s16 =	sadd.s32 $0x80, s16  }
0x3d: {  	s18 =	simm.s32 $0x4;
	s19 =	simm.s32 $0x8;
	s14 =	sor.u32 $0x8000, s14;
	[tilespmem:s17+$0x1830 ss:$0x81] =	vst.msk $0xffff, v5;
	v4 =	vld [tilespmem:s16+$0x30]  }
.LBB1_3:
0x3e: {  	p1 =	sne.s32 s19, $0x1FC;
	v5 =	vld [tilespmem:s16+$0xFFFFFFD0];
	[tilespmem:s17+$0x2040 ss:$0x81] =	vst.msk $0xffff, v1  }
0x3f: {  	v6 =	vld [tilespmem:s16+$0xFFFFFFE0];
	[tilespmem:s17+$0x2850 ss:$0x81] =	vst.msk $0xffff, v2  }
0x40: {  	s20 =	sshra.s32 s18, $0x2;
	s18 =	smov.u32 s19;
	v7 =	vld [tilespmem:s16+$0xFFFFFFF0];
	[tilespmem:s17+$0x3060 ss:$0x81] =	vst.msk $0xffff, v3  }
.Ltmp3:
0x41: {  	v1 =	vld [tilespmem:s16+$0x0];
	[tilespmem:s17+$0x0 ss:$0x81] =	vst.msk $0xffff, v0;
	s17 =	sadd.s32 s20, s15;
	(pc) =	sbr.rel @p1 .LBB1_3-.Ltmp3, $4  }
0x42: {  	v2 =	vld [tilespmem:s16+$0x10];
	[tilespmem:s17+$0x3870 ss:$0x81] =	vst.msk $0xffff, v4  }
0x43: {  	[tilespmem:s17+$0x810 ss:$0x81] =	vst.msk $0xffff, v5;
	v3 =	vld [tilespmem:s16+$0x20]  }
0x44: {  	v0 =	vld [tilespmem:s16+$0xFFFFFFC0];
	[tilespmem:s17+$0x1020 ss:$0x81] =	vst.msk $0xffff, v6;
	s16 =	sadd.s32 $0x80, s16  }
0x45: {  	s19 =	sadd.s32 $0x4, s19;
	v4 =	vld [tilespmem:s16+$0x30];
	[tilespmem:s17+$0x1830 ss:$0x81] =	vst.msk $0xffff, v7  }
.Ltmp4:
0x46: {  	_ = 	snop;
	(pc) =	sbr.rel .LBB1_4-.Ltmp4, $1  }
0x47: {  	_ =	sdelay $0x3  }
.LBB1_6:
0x48: {  	_ =	sfence.sel $0x180000  }
0x49: {  	s2 =	simm.s32 $0x1;
	[bflag:$0x0] =	sbarrier.arrive $0xFFFF  }
0x4a: {  	s31 =	simm.s32 $0x2;
	[sflag:s2] =	ssyncpa.u1 $0x1  }
0x4b: {  	[sflag:s31] =	ssyncpa.u1 $0x1  }
0x4c: {  	p0 =	sne.s32 s0, $0x0;
	_ =	strace $0x9000004A  }
0x4d: {  	s0 =	sadd.s32 @!p0 $0x100000, s1;
	[bflag:$0x2] =	sbarrier.arrive $0xFFFF  }
0x4e: {  	[sflag:s0] =	ssyncadd.tile.s32 @!p0 $0x1;
	_ =	shalt  }
.Lfunc_end1:
_tile_overlayer_lowered:
.L_overlay_start_2:
0x4f: {  	(tag) =	ssettag $0x2  }
0x50: {  	s0 =	rddreg [dreg:$0x0];
	s2 =	stileid.u32  }
0x51: {  	s1 =	rddreg [dreg:$0x1];
	p0 =	sne.s32 s2, $0x0  }
0x52: {  	s3 =	rddreg [dreg:$0x2];
	[bflag:$0x3] =	sbarrier.arrive $0xFFFF;
	s2 =	simm.s32 @!p0 $0x1C01  }
0x53: {  	[timem:s3], [sflag:s2] =	dma.local @!p0 [hbm:s0], s1  }
0x54: {  	s0 =	simm.s32 @!p0 $0x1  }
0x55: {  	_ =	swait.ge @!p0 [sflag:s0], s1  }
0x56: {  	s1 =	ssub.s32 @!p0 $0x0, s1;
	[sflag:s0] =	ssyncset.done @!p0 $0x0  }
0x57: {  	[sflag:s0] =	ssyncadd.s32 @!p0 s1  }
0x58: {  	[bflag:$0x3] =	sbarrier.arrive $0xFFFF  }
0x59: {  	_ =	shalt  }

// kernel: sparse-core-data-format-call.cloned.1.call-start
scs
called_computation_lowered:
.L_overlay_start_0:
0x0: {  	s1 =	sld [smem:$0x3FD9]  }
0x1: {  	s2 =	sld [smem:$0x3FFE];
	_ =	sdelay $0x1  }
0x2: {  	s3 =	srdreg.scid  }
0x3: {  	s0 =	sand.u32 $0x1, s3  }
0x4: {  	s17 =	sshll.u32 s0, $0xA;
	s1 =	sadd.s32 s2, s1  }
0x5: {  	s1 =	sadd.s32 s1, s17  }
0x6: {  	[smem:$0x3F7D] =	sst s1  }
0x7: {  	_ = 	snop  }
0x8: {  	(tm) =	ssettm $0x1  }
0x9: {  	s18 =	sld [smem:$0x3FFB];
	_ =	sdelay $0x3  }
0xa: {  	_ =	strace s18  }
0xb: {  	s1 =	sld [smem:$0x3FFC];
	_ =	sdelay $0x3  }
0xc: {  	_ =	strace s1  }
0xd: {  	s1 =	sld [smem:$0x3FFD];
	_ =	sdelay $0x3  }
0xe: {  	_ =	strace s1  }
0xf: {  	_ =	strace $0x8FFFFFFF  }
0x10: {  	s19 =	sld [smem:$0x3FDB];
	_ =	sdelay $0x1  }
0x11: {  	s20 =	simm.s32 $_scs_section_size  }
0x12: {  	s4 =	simm.s32 $_size__tile_overlayer_lowered;
	s5 =	simm.s32 $_tile_overlayer_lowered  }
0x13: {  	s23 =	simm.s32 $0x1BFF;
	s22 =	sshll.u32 s5, $0x1;
	s1 =	sadd.s32 s20, s19  }
0x14: {  	s6 =	simm.s32 $0x0;
	s21 =	sshll.u32 s4, $0x1;
	s4 =	sadd.s32 s22, s1  }
0x15: {  	[timem:s6], [sflag:s23] =	dma.local [hbm:s4], s21  }
0x16: {  	_ =	swait.ge [sflag:s23], s21  }
0x17: {  	s2 =	ssub.s32 $0x0, s21;
	[sflag:s23] =	ssyncset.done $0x0  }
0x18: {  	[sflag:s23] =	ssyncadd.s32 s2;
	_ =	sdelay $0x1  }
0x19: {  	s24 =	simm.s32 $0x1B8B  }
0x1a: {  	_ =	swait.ge [sflag:s24], $0x1  }
0x1b: {  	[sflag:s24] =	ssyncset.done $0x0  }
0x1c: {  	s26 =	simm.s32 $0x1B8E;
	s25 =	sld [smem:$0x3FFE];
	[sflag:s24] =	ssyncadd.s32 $0xFFFFFFFF  }
0x1d: {  	s27 =	simm.s32 $execute0_lowered;
	[smem:$0x3FD2] =	sst s26  }
0x1e: {  	s4 =	sshll.u32 s27, $0x1;
	_ =	strace $0x80000052;
	[dreg:$0x1] =	wrdreg $0xFFFFFFFF  }
0x1f: {  	s28 =	simm.s32 $_size_execute0_lowered;
	s1 =	sadd.s32 s1, s4;
	[dreg:$0x0] =	wrdreg $0x0  }
0x20: {  	s4 =	sshll.u32 s28, $0x1;
	[dreg:$0x2] =	wrdreg s1  }
0x21: {  	[dreg:$0x3] =	wrdreg s4  }
0x22: {  	[dreg:$0x4] =	wrdreg $0xC0  }
0x23: {  	_ =	task [dreg:s6], $0x5FFFF  }
0x24: {  	[dreg:$0x1] =	wrdreg $0xFFFFFFFF  }
0x25: {  	[dreg:$0x0] =	wrdreg $0x60  }
0x26: {  	[dreg:$0x2] =	wrdreg s25  }
0x27: {  	[dreg:$0x3] =	wrdreg $0x9  }
0x28: {  	_ =	task.clear_ibuf [dreg:s6], $0x4FFFF;
	_ =	strace $0x90000052  }
0x29: {  	s29 =	simm.s32 $0x9;
	_ =	strace $0x80000054  }
0x2a: {  	_ =	swait.ge [sflag:s29], $0x1  }
0x2b: {  	[sflag:s29] =	ssyncadd.s32 $0xFFFFFFFF  }
0x2c: {  	_ =	strace $0x90000054  }
0x2d: {  	_ =	sfence  }
0x2e: {  	s30 =	sld [smem:$0x0];
	_ =	sdelay $0x2  }
0x2f: {  	s31 =	sshll.u32 s3, $0xD;
	s3 =	sshrl.u32 s3, $0x2  }
0x30: {  	s2 =	sand.u32 $0x4000, s31;
	s1 =	sadd.s32 s3, s30  }
0x31: {  	s0 =	sor.u32 s2, s0;
	s1 =	sshll.u32 s1, $0x11  }
0x32: {  	s0 =	sor.u32 s1, s0  }
0x33: {  	s0 =	sadd.s32 $0x8F2B, s0  }
0x34: {  	[sflag:s0] =	ssyncadd.remote.s32 $0x1  }
0x35: {  	_ =	sfence.sel $0xFFFF  }
0x36: {  	[dreg:$0x0] =	wrdreg $0xFFFFFFFF;
	(pc) =	sbr.abs _section_cstart, $3  }
0x37: {  	[dreg:$0x1] =	wrdreg $0xFFFFFFFF  }
0x38: {  	_ =	task.clear_ibuf [dreg:s6], $0x2FFFF;
	_ =	strace $0x9FFFFFFF  }
0x39: {  	(tm) =	ssettm $0x7FFFFFFF  }
tec
execute0_lowered:
.L_overlay_start_1:
0x0: {  	(tag) =	ssettag $0x1  }
0x1: {  	s0 =	stileid.u32;
	s1 =	srdreg.scid  }
0x2: {  	s7 =	rddreg [dreg:$0x0];
	s31 =	simm.s32 $0x2;
	s14 =	simm.s32 $0x0  }
0x3: {  	s13 =	simm.s32 $0x0;
	s12 =	simm.s32 $0x0;
	s2 =	sshll.u32 s0, $0x7  }
0x4: {  	s3 =	sshll.u32 s0, $0x5;
	s1 =	sshll.u32 s1, $0x9;
	s2 =	sand.u32 $0x180, s2  }
0x5: {  	s3 =	sor.u32 s3, s1;
	s1 =	rddreg [dreg:$0x1];
	_ =	strace $0x80000053  }
0x6: {  	s3 =	sand.u32 $0x380, s3;
	s4 =	ssub.s32 $0x200, s2;
	s11 =	smov.u32 s2  }
0x7: {  	s5 =	sand.u32 $0x180, s4;
	s6 =	ssub.s32 $0x4800, s3;
	s9 =	sshrl.u32 s4, $0x9  }
0x8: {  	p0 =	sne.s32 s5, $0x0;
	s5 =	simm.s32 $0x1;
	s8 =	sand.u32 $0x380, s6  }
0x9: {  	s5 =	simm.s32 @!p0 $0x0;
	p0 =	sne.s32 s8, $0x0;
	s8 =	simm.s32 $0x1  }
.Ltmp0:
0xa: {  	s6 =	sshrl.u32 s6, $0xA;
	s8 =	simm.s32 @!p0 $0x0;
	(pc) =	sbr.rel .LBB1_1-.Ltmp0, $4  }
0xb: {  	s4 =	simm.s32 $0x1;
	s5 =	sadd.s32 s5, s9;
	s6 =	sadd.s32 s8, s6  }
0xc: {  	s10 =	smov.u32 s3;
	[sflag:s4] =	ssyncpa.u1 $0x0;
	s5 =	smul.u32 s5, s6  }
0xd: {  	[sflag:s31] =	ssyncpa.u1 $0x0;
	p0 =	por $0x0, $0x0;
	s9 =	simm.s32 $0x1000  }
0xe: {  	s6 =	sadd.s32 $0x22F800, s7;
	s7 =	sadd.s32 $0x39000, s7;
	s8 =	sadd.s32 $0x1, s5  }
.LBB1_4:
0xf: {  	s20 =	sshll.u32 s14, $0x9;
	s21 =	sshll.u32 s13, $0x3  }
0x10: {  	v5 =	vld [tilespmem:s18+$0xFFFFFFD0];
	[tilespmem:s17+$0x2040 ss:$0x81] =	vst.msk $0xffff, v4;
	s25 =	sshll.u32 s14, $0x7;
	s20 =	sand.u32 $0xFFFFF000, s20;
	s21 =	sand.u32 $0xFFFFFC00, s21  }
0x11: {  	v58 =	vld [tilespmem:s18+$0xFFFFFFE0];
	[tilespmem:s17+$0x2850 ss:$0x81] =	vst.msk $0xffff, v3;
	s26 =	sand.u32 $0x200, s25;
	s20 =	sadd.s32 s21, s20  }
0x12: {  	s19 =	sshra.s32 s19, $0x2;
	v59 =	vld [tilespmem:s18+$0xFFFFFFF0];
	[tilespmem:s17+$0x3060 ss:$0x81] =	vst.msk $0xffff, v2;
	s20 =	sor.u32 s26, s20  }
0x13: {  	v60 =	vld [tilespmem:s18+$0x0];
	[tilespmem:s17+$0x0 ss:$0x81] =	vst.msk $0xffff, v0;
	s16 =	sadd.s32 s19, s16;
	s27 =	sshrl.u32 s20, $0x9  }
0x14: {  	v61 =	vld [tilespmem:s18+$0x10];
	[tilespmem:s16+$0x3870 ss:$0x81] =	vst.msk $0xffff, v1;
	s28 =	smulhi.u32 $0x71C71D, s27  }
0x15: {  	v62 =	vld [tilespmem:s18+$0x20];
	[tilespmem:s16+$0x810 ss:$0x81] =	vst.msk $0xffff, v5  }
0x16: {  	v63 =	vld [tilespmem:s18+$0xFFFFFFC0];
	[tilespmem:s16+$0x1020 ss:$0x81] =	vst.msk $0xffff, v58;
	s29 =	sshrl.u32 s28, $0x5  }
0x17: {  	s30 =	sand.u32 $0x78, s13;
	s14 =	sand.u32 $0x180, s25;
	[tilespmem:s16+$0x1830 ss:$0x81] =	vst.msk $0xffff, v59;
	s18 =	smul.u32 $0x4800, s29  }
0x18: {  	s14 =	sor.u32 s30, s14;
	[tilespmem:s16+$0x2040 ss:$0x81] =	vst.msk $0xffff, v60  }
0x19: {  	s31 =	sand.u32 $0x7, s13;
	s14 =	sshrl.u32 s14, $0x3;
	[tilespmem:s16+$0x2850 ss:$0x81] =	vst.msk $0xffff, v61;
	s17 =	ssub.s32 s27, s18  }
0x1a: {  	s13 =	sshll.u32 s31, $0x12;
	s14 =	sadd.s32 s7, s14;
	[tilespmem:s16+$0x3060 ss:$0x81] =	vst.msk $0xffff, v62;
	s17 =	sshll.u32 s17, $0x6  }
0x1b: {  	s13 =	sor.u32 $0x400, s13;
	[tilespmem:s16+$0x0 ss:$0x81] =	vst.msk $0xffff, v63;
	s14 =	sadd.s32 s17, s14  }
0x1c: {  	[hbm4b:s14+s13] =	stream.strided.scatter [tilespmem:s15], [sflag:$0x2], $0x4000, s9, s13, $0x20;
	[tilespmem:$0x10100] =	vst v63  }
.LBB1_5:
0x1d: {  	s15 =	sadd.s32 $0x400, s10  }
0x1e: {  	s13 =	sadd.s32 $0x200, s11;
	s17 =	smov.u32 s11;
	p2 =	sgt.s32 s15, $0x47FF  }
0x1f: {  	s17 =	smov.u32 @p2 s13  }
0x20: {  	s15 =	smov.u32 @p2 s3;
	p2 =	sgt.s32 s17, $0x1FF  }
0x21: {  	s17 =	smov.u32 @p2 s2;
	p2 =	sne.s32 s12, s8  }
.Ltmp1:
0x22: {  	p1 =	slt.u32 s12, $0x2;
	(pc) =	sbr.rel @!p2 .LBB1_6-.Ltmp1, $4  }
0x23: {  	s16 =	simm.s32 @!p1 $0x2  }
0x24: {  	s14 =	smov.u32 s10;
	p0 =	por !p0, !p0;
	_ =	swait.ge @!p1 [sflag:s16], $0x4000  }
0x25: {  	s13 =	smov.u32 s11;
	[sflag:s16] =	ssyncset.done @!p1 $0x0;
	s10 =	smov.u32 s15  }
0x26: {  	s12 =	sadd.s32 $0x1, s12;
	[sflag:s16] =	ssyncadd.s32 @!p1 $0xFFFFC000;
	s11 =	smov.u32 s17  }
.LBB1_1:
0x27: {  	p1 =	sge.u32 s12, s5  }
0x28: {  	s15 =	sshrl.u32 @!p1 s11, $0x3  }
0x29: {  	s16 =	sshll.u32 @!p1 s10, $0x3;
	s17 =	sshll.u32 @!p1 s11, $0x7;
	s15 =	smul.u32 @!p1 $0x24000, s15  }
0x2a: {  	s18 =	sand.u32 @!p1 $0x7F, s10;
	s16 =	sand.u32 @!p1 $0xFFFFFC00, s16;
	s17 =	sand.u32 @!p1 $0x380, s17  }
0x2b: {  	s15 =	sadd.s32 @!p1 s15, s16;
	s16 =	sor.u32 @!p1 s18, s17  }
0x2c: {  	s16 =	sor.u32 @!p1 s15, s16  }
0x2d: {  	s17 =	smulhi.u32 @!p1 $0x38E38E39, s16;
	_ =	sdelay $0x1  }
0x2e: {  	s15 =	smulhi.u32 @!p1 $0x38E38E39, s15;
	s17 =	sshrl.u32 @!p1 s17, $0xC  }
0x2f: {  	s17 =	smul.u32 @!p1 $0x4800, s17  }
0x30: {  	s31 =	sadd.s32 $0xFFFFFFFF, s12;
	s18 =	sxor.u32 @!p1 $0xFFFFFFFF, s12;
	s15 =	sshrl.u32 @!p1 s15, $0xC  }
0x31: {  	s18 =	sshll.u32 @!p1 s18, $0xE;
	s15 =	sand.u32 @!p1 $0x1FF, s15;
	s16 =	ssub.s32 @!p1 s16, s17  }
0x32: {  	s15 =	smul.u32 @!p1 $0x900, s15;
	s17 =	sshrl.u32 @!p1 s16, $0x3;
	s16 =	sand.u32 @!p1 $0x7, s16  }
0x33: {  	s18 =	sand.u32 @!p1 $0x4000, s18;
	s17 =	sadd.s32 @!p1 s6, s17;
	s16 =	sshll.u32 @!p1 s16, $0x12  }
0x34: {  	s15 =	sadd.s32 @!p1 s15, s17;
	s16 =	sor.u32 @!p1 $0x400, s16;
	s17 =	simm.s32 @!p1 $0x24000  }
0x35: {  	[tilespmem:s18], [sflag:$0x1] =	stream.strided.gather @!p1 [hbm4b:s15+s16], $0x4000, s17, s16, $0x38;
	[tilespmem:$0x10100] =	vst v63  }
0x36: {  	p1 =	sge.u32 s31, s5  }
.Ltmp2:
0x37: {  	_ = 	snop;
	(pc) =	sbr.rel @p1 .LBB1_5-.Ltmp2, $1  }
0x38: {  	_ =	sdelay $0x3  }
0x39: {  	s15 =	simm.s32 $0x1  }
0x3a: {  	_ =	swait.ge [sflag:s4], $0x4000;
	s15 =	simm.s32 @!p0 $0x0  }
0x3b: {  	[sflag:s4] =	ssyncset.done $0x0;
	s16 =	sshll.u32 s15, $0xE  }
0x3c: {  	[sflag:s4] =	ssyncadd.s32 $0xFFFFC000;
	s18 =	sor.u32 $0x40, s16  }
0x3d: {  	s15 =	smul.u32 $0x10200, s15;
	v0 =	vld [tilespmem:s18+$0x30]  }
0x3e: {  	v1 =	vld [tilespmem:s18+$0xFFFFFFD0]  }
0x3f: {  	s15 =	sshrl.u32 s15, $0x2;
	v5 =	vld [tilespmem:s18+$0xFFFFFFE0]  }
0x40: {  	v6 =	vld [tilespmem:s18+$0xFFFFFFF0];
	s16 =	sor.u32 $0x8000, s15  }
0x41: {  	s31 =	sand.u32 $0x1, s12;
	v4 =	vld [tilespmem:s18+$0x0];
	s17 =	sadd.s32 $0x0, s16  }
0x42: {  	v3 =	vld [tilespmem:s18+$0x10];
	s15 =	smul.u32 $0x10200, s31;
	[tilespmem:s17+$0x3870 ss:$0x81] =	vst.msk $0xffff, v0  }
0x43: {  	v2 =	vld [tilespmem:s18+$0x20];
	[tilespmem:s17+$0x810 ss:$0x81] =	vst.msk $0xffff, v1  }
0x44: {  	s15 =	sshrl.u32 s15, $0x2;
	v0 =	vld [tilespmem:s18+$0xFFFFFFC0];
	[tilespmem:s17+$0x1020 ss:$0x81] =	vst.msk $0xffff, v5;
	s18 =	sadd.s32 $0x80, s18  }
0x45: {  	s19 =	simm.s32 $0x4;
	s20 =	simm.s32 $0x8;
	s15 =	sor.u32 $0x8000, s15;
	[tilespmem:s17+$0x1830 ss:$0x81] =	vst.msk $0xffff, v6;
	v1 =	vld [tilespmem:s18+$0x30]  }
.LBB1_3:
0x46: {  	p1 =	sne.s32 s20, $0x1FC;
	v5 =	vld [tilespmem:s18+$0xFFFFFFD0];
	[tilespmem:s17+$0x2040 ss:$0x81] =	vst.msk $0xffff, v4  }
0x47: {  	v6 =	vld [tilespmem:s18+$0xFFFFFFE0];
	[tilespmem:s17+$0x2850 ss:$0x81] =	vst.msk $0xffff, v3  }
0x48: {  	s21 =	sshra.s32 s19, $0x2;
	s19 =	smov.u32 s20;
	v7 =	vld [tilespmem:s18+$0xFFFFFFF0];
	[tilespmem:s17+$0x3060 ss:$0x81] =	vst.msk $0xffff, v2  }
.Ltmp3:
0x49: {  	v4 =	vld [tilespmem:s18+$0x0];
	[tilespmem:s17+$0x0 ss:$0x81] =	vst.msk $0xffff, v0;
	s17 =	sadd.s32 s21, s16;
	(pc) =	sbr.rel @p1 .LBB1_3-.Ltmp3, $4  }
0x4a: {  	v3 =	vld [tilespmem:s18+$0x10];
	[tilespmem:s17+$0x3870 ss:$0x81] =	vst.msk $0xffff, v1  }
0x4b: {  	[tilespmem:s17+$0x810 ss:$0x81] =	vst.msk $0xffff, v5;
	v2 =	vld [tilespmem:s18+$0x20]  }
0x4c: {  	v0 =	vld [tilespmem:s18+$0xFFFFFFC0];
	[tilespmem:s17+$0x1020 ss:$0x81] =	vst.msk $0xffff, v6;
	s18 =	sadd.s32 $0x80, s18  }
0x4d: {  	s20 =	sadd.s32 $0x4, s20;
	v1 =	vld [tilespmem:s18+$0x30];
	[tilespmem:s17+$0x1830 ss:$0x81] =	vst.msk $0xffff, v7  }
.Ltmp4:
0x4e: {  	_ = 	snop;
	(pc) =	sbr.rel .LBB1_4-.Ltmp4, $1  }
0x4f: {  	_ =	sdelay $0x3  }
.LBB1_6:
0x50: {  	_ =	sfence.sel $0x180000  }
0x51: {  	s2 =	simm.s32 $0x1;
	[bflag:$0x0] =	sbarrier.arrive $0xFFFF  }
0x52: {  	s31 =	simm.s32 $0x2;
	[sflag:s2] =	ssyncpa.u1 $0x1  }
0x53: {  	[sflag:s31] =	ssyncpa.u1 $0x1  }
0x54: {  	p0 =	sne.s32 s0, $0x0;
	_ =	strace $0x90000053  }
0x55: {  	s0 =	sadd.s32 @!p0 $0x100000, s1;
	[bflag:$0x2] =	sbarrier.arrive $0xFFFF  }
0x56: {  	[sflag:s0] =	ssyncadd.tile.s32 @!p0 $0x1;
	_ =	shalt  }
.Lfunc_end1:
_tile_overlayer_lowered:
.L_overlay_start_2:
0x57: {  	(tag) =	ssettag $0x2  }
0x58: {  	s0 =	rddreg [dreg:$0x0];
	s2 =	stileid.u32  }
0x59: {  	s1 =	rddreg [dreg:$0x1];
	p0 =	sne.s32 s2, $0x0  }
0x5a: {  	s3 =	rddreg [dreg:$0x2];
	[bflag:$0x3] =	sbarrier.arrive $0xFFFF;
	s2 =	simm.s32 @!p0 $0x1C01  }
0x5b: {  	[timem:s3], [sflag:s2] =	dma.local @!p0 [hbm:s0], s1  }
0x5c: {  	s0 =	simm.s32 @!p0 $0x1  }
0x5d: {  	_ =	swait.ge @!p0 [sflag:s0], s1  }
0x5e: {  	s1 =	ssub.s32 @!p0 $0x0, s1;
	[sflag:s0] =	ssyncset.done @!p0 $0x0  }
0x5f: {  	[sflag:s0] =	ssyncadd.s32 @!p0 s1  }
0x60: {  	[bflag:$0x3] =	sbarrier.arrive $0xFFFF  }
0x61: {  	_ =	shalt  }

</sc_bundles>
